<compile_context>
chip_gen: v7x
topology: tpu7x:2x2x1
jax: 0.10.2.dev20260603
libtpu: 0.0.44.dev20260713+nightly
codegen_flags: <defaults>
</compile_context>

<pallas_src>
import functools

import jax
import jax.numpy as jnp
from jax import lax
from jax.experimental import pallas as pl
from jax.experimental.pallas import tpu as pltpu
from jax.experimental.pallas import tpu_sc as plsc

N = 10000
E = 320000
D = 128

NC = 2
NS = 16
L = 16

CHUNK = 128
E_PAD = 327680
NROWS = E_PAD // CHUNK
NCH_DEG = E_PAD // (NC * NS * CHUNK)
NCH_MAIN = E_PAD // (NS * CHUNK)
NCHM = E_PAD // (NC * NS * CHUNK)
HCH = NCHM // 2
DC = 2 * D
NH = 10240
RPS = NH // NS
RN = 2048

_mesh = plsc.VectorSubcoreMesh(core_axis_name="c", subcore_axis_name="s")


@functools.partial(
    pl.kernel,
    out_type=jax.ShapeDtypeStruct((NC * NS, NH), jnp.float32),
    mesh=_mesh,
    scratch_types=[
        pltpu.VMEM((NCH_DEG, 1, CHUNK), jnp.int32),
        pltpu.VMEM((NH,), jnp.float32),
    ],
    compiler_params=pltpu.CompilerParams(needs_layout_passes=False),
)
def _deg_kernel(col2_hbm, degp_hbm, colvall, hist):
    c = lax.axis_index("c")
    s = lax.axis_index("s")
    wid = c * NS + s

    pltpu.sync_copy(col2_hbm.at[pl.ds(wid * NCH_DEG, NCH_DEG)], colvall)

    def zbody(i, carry):
        hist[pl.ds(i * L, L)] = jnp.zeros((L,), jnp.float32)
        return carry

    lax.fori_loop(0, NH // L, zbody, 0)

    ones16 = jnp.ones((L,), jnp.float32)

    def cbody(ch, carry):
        for i in range(CHUNK // L):
            c16 = colvall[ch, 0, pl.ds(i * L, L)]
            plsc.addupdate_scatter(hist, [c16], ones16)
        return carry

    lax.fori_loop(0, NCH_DEG, cbody, 0)
    pltpu.sync_copy(hist, degp_hbm.at[wid])


def _prep_body(degp_ref, x_ref, mask_ref, tab_ref, dis_ref):
    deg = jnp.sum(degp_ref[...], axis=0)
    dis = jnp.where(deg > 0, lax.rsqrt(deg), 0.0)
    disc = dis[:, None]
    xc = x_ref[...]
    xc = jnp.where(jnp.isnan(xc), 0.0, xc)
    m = mask_ref[...]
    a = disc * m * xc
    bm = disc * m
    tab_ref[...] = jnp.concatenate([a, bm], axis=1).astype(jnp.bfloat16)
    dis_ref[...] = jnp.broadcast_to(disc, (RN, D))


_prep = pl.pallas_call(
    _prep_body,
    grid=(NH // RN,),
    in_specs=[
        pl.BlockSpec((NC * NS, RN), lambda i: (0, i)),
        pl.BlockSpec((RN, D), lambda i: (i, 0)),
        pl.BlockSpec((RN, D), lambda i: (i, 0)),
    ],
    out_specs=[
        pl.BlockSpec((RN, DC), lambda i: (i, 0)),
        pl.BlockSpec((RN, D), lambda i: (i, 0)),
    ],
    out_shape=[
        jax.ShapeDtypeStruct((NH, DC), jnp.bfloat16),
        jax.ShapeDtypeStruct((NH, D), jnp.float32),
    ],
)


@functools.partial(
    pl.kernel,
    out_type=jax.ShapeDtypeStruct((NC * NS, NH), jnp.float32),
    mesh=_mesh,
    scratch_types=[
        pltpu.VMEM((NCH_DEG, 1, CHUNK), jnp.int32),
        pltpu.VMEM((NCH_DEG, 1, CHUNK), jnp.int32),
        pltpu.VMEM((NH,), jnp.float32),
        pltpu.VMEM((NH,), jnp.float32),
    ],
    compiler_params=pltpu.CompilerParams(needs_layout_passes=False),
)
def _s1_kernel(col2_hbm, rowp2_hbm, dis_hbm, s1p_hbm,
               colvall, rowvall, disv, histv):
    c = lax.axis_index("c")
    s = lax.axis_index("s")
    wid = c * NS + s

    pltpu.sync_copy(col2_hbm.at[pl.ds(wid * NCH_DEG, NCH_DEG)], colvall)
    pltpu.sync_copy(rowp2_hbm.at[pl.ds(wid * NCH_DEG, NCH_DEG)], rowvall)
    pltpu.sync_copy(dis_hbm, disv)

    def zbody(i, carry):
        histv[pl.ds(i * L, L)] = jnp.zeros((L,), jnp.float32)
        return carry

    lax.fori_loop(0, NH // L, zbody, 0)

    def cbody(ch, carry):
        for i in range(CHUNK // L):
            c16 = colvall[ch, 0, pl.ds(i * L, L)]
            r16 = rowvall[ch, 0, pl.ds(i * L, L)]
            d16 = plsc.load_gather(disv, [c16])
            plsc.addupdate_scatter(histv, [r16], d16)
        return carry

    lax.fori_loop(0, NCH_DEG, cbody, 0)
    pltpu.sync_copy(histv, s1p_hbm.at[wid])


@functools.partial(
    pl.kernel,
    out_type=jax.ShapeDtypeStruct((2 * NH, 2, D), jnp.bfloat16),
    mesh=_mesh,
    scratch_types=[
        pltpu.VMEM_SHARED((NH, 2, D), jnp.bfloat16),
        pltpu.VMEM((HCH, 1, CHUNK), jnp.int32),
        pltpu.VMEM((HCH, 1, CHUNK), jnp.int32),
        pltpu.VMEM((2, CHUNK, 2, D), jnp.bfloat16),
        pltpu.SemaphoreType.DMA,
        pltpu.SemaphoreType.DMA,
    ],
    compiler_params=pltpu.CompilerParams(
        needs_layout_passes=False, use_tc_tiling_on_sc=False),
)
def _main_kernel(col2_hbm, rowp2_hbm, table_hbm, zeros_hbm,
                 sums_hbm,
                 acc, colvall, rowvall, rowsv, sem0, sem1):
    c = lax.axis_index("c")
    s = lax.axis_index("s")
    sems = (sem0, sem1)

    pltpu.sync_copy(zeros_hbm.at[pl.ds(s * RPS, RPS)],
                    acc.at[pl.ds(s * RPS, RPS)])
    plsc.subcore_barrier()

    def process(ch, j, fire_next):
        pltpu.make_async_copy(
            table_hbm.at[colvall.at[ch, 0]], rowsv.at[j], sems[j]).wait()
        pltpu.sync_copy(rowsv.at[j], acc.at[rowvall.at[ch, 0]], add=True)
        if fire_next:
            pltpu.async_copy(
                table_hbm.at[colvall.at[ch + 2, 0]], rowsv.at[j], sems[j])

    def gbody(g, carry):
        process(2 * g, 0, True)
        process(2 * g + 1, 1, True)
        return carry

    wid = (1 - c) * NS + s
    for h in range(NCHM // HCH):
        pltpu.sync_copy(
            col2_hbm.at[pl.ds(wid * NCHM + h * HCH, HCH)], colvall)
        pltpu.sync_copy(
            rowp2_hbm.at[pl.ds(wid * NCHM + h * HCH, HCH)], rowvall)
        pltpu.async_copy(table_hbm.at[colvall.at[0, 0]], rowsv.at[0], sem0)
        pltpu.async_copy(table_hbm.at[colvall.at[1, 0]], rowsv.at[1], sem1)
        lax.fori_loop(0, HCH // 2 - 1, gbody, 0)
        process(HCH - 2, 0, False)
        process(HCH - 1, 1, False)

    plsc.subcore_barrier()
    pltpu.sync_copy(acc.at[pl.ds(s * RPS, RPS)],
                    sums_hbm.at[pl.ds(c * NH + s * RPS, RPS)])


def _final_body(p0_ref, p1_ref, s1p_ref, dis_ref, wt_ref, b_ref, o_ref):
    p = (p0_ref[...].astype(jnp.float32) + p1_ref[...].astype(jnp.float32))
    s2 = p[:, :D]
    s3 = p[:, D:]
    s1 = jnp.sum(s1p_ref[...], axis=0)
    num = dis_ref[...] * s1[:, None] * s2
    ratio = jnp.nan_to_num(num / s3)
    o_ref[...] = (
        jnp.dot(ratio, wt_ref[...], preferred_element_type=jnp.float32)
        + b_ref[...]
    )


_final = pl.pallas_call(
    _final_body,
    grid=(NH // RN,),
    in_specs=[
        pl.BlockSpec((RN, DC), lambda i: (i, 0)),
        pl.BlockSpec((RN, DC), lambda i: (i, 0)),
        pl.BlockSpec((NC * NS, RN), lambda i: (0, i)),
        pl.BlockSpec((RN, D), lambda i: (i, 0)),
        pl.BlockSpec((D, D), lambda i: (0, 0)),
        pl.BlockSpec((1, D), lambda i: (0, 0)),
    ],
    out_specs=pl.BlockSpec((RN, D), lambda i: (i, 0)),
    out_shape=jax.ShapeDtypeStruct((NH, D), jnp.float32),
)


def kernel(x, edge_index, mask, W, b):
    row = edge_index[0]
    col = edge_index[1]
    pad = E_PAD - E
    colp = jnp.concatenate([col, jnp.full((pad,), N, jnp.int32)])
    rowp = jnp.concatenate([row, jnp.zeros((pad,), jnp.int32)])
    col2 = colp.reshape(NROWS, 1, CHUNK)
    rowp2 = rowp.reshape(NROWS, 1, CHUNK)

    xp = jnp.pad(x, ((0, NH - N), (0, 0)))
    maskp = jnp.pad(mask, ((0, NH - N), (0, 0)))

    degp = _deg_kernel(col2)
    table, discol = _prep(degp, xp, maskp)

    dis1dp = jnp.where(jnp.arange(NH) < N, discol[:, 0], 0.0)
    zeros_init = jnp.zeros((NH, 2, D), jnp.bfloat16)

    s1p = _s1_kernel(col2, rowp2, dis1dp)
    sums = _main_kernel(col2, rowp2, table.reshape(NH, 2, D),
                        zeros_init).reshape(2 * NH, DC)
    out = _final(sums[:NH], sums[NH:], s1p, discol, W.T, b[None])
    return out[:N]

# --- scband reference (transcript-rebuilt; emitter-appended) ---
"""Pipeline reference for scband-pa-gnnconv-78606491452014 (READ-ONLY COPY).

The authoritative reference and input builder live on the scoring server;
editing this copy changes nothing except your own understanding.
"""

import jax, jax.numpy as jnp
import numpy as np

N = 10000
E = 320000
D_IN = 128
D_OUT = 128


def setup_inputs(seed: int = 0) -> dict:
    key = jax.random.key(seed)
    k1, k2, k3, k4, k5 = jax.random.split(key, 5)
    x = jax.random.normal(k1, (N, D_IN), dtype=jnp.float32)
    # int32 used for portability (jax default disables x64); values in [0, N)
    edge_index = jax.random.randint(k2, (2, E), 0, N, dtype=jnp.int32)
    # binary feature-observation mask (module buffer, built in __init__)
    mask = jax.random.bernoulli(k3, 0.5, (N, D_IN)).astype(jnp.float32)
    # torch.nn.Linear default init: U(-1/sqrt(fan_in), 1/sqrt(fan_in))
    lim = 1.0 / np.sqrt(D_IN)
    W = jax.random.uniform(k4, (D_OUT, D_IN), minval=-lim, maxval=lim, dtype=jnp.float32)
    b = jax.random.uniform(k5, (D_OUT,), minval=-lim, maxval=lim, dtype=jnp.float32)
    return {"x": x, "edge_index": edge_index, "mask": mask, "W": W, "b": b}


def _spmm(dad, row, col, X, n):
    # torch.sparse.mm(adj, X) with adj = coo(edge_index, dad):
    # out[row] += dad * X[col]
    return jax.ops.segment_sum(dad[:, None] * X[col], row, num_segments=n)


def reference(x, edge_index, mask, W, b):
    n = x.shape[0]
    row = edge_index[0]
    col = edge_index[1]
    # get_symmetrically_normalized_adjacency
    ew = jnp.ones((edge_index.shape[1],), dtype=x.dtype)
    deg = jax.ops.segment_sum(ew, col, num_segments=n)
    deg_inv_sqrt = deg ** -0.5
    deg_inv_sqrt = jnp.where(jnp.isinf(deg_inv_sqrt), 0.0, deg_inv_sqrt)
    dad = deg_inv_sqrt[row] * ew * deg_inv_sqrt[col]
    # forward
    xc = jnp.where(jnp.isnan(x), 0.0, x)
    numerator = _spmm(dad, row, col, jnp.ones_like(xc), n) * _spmm(dad, row, col, mask * xc, n)
    denominator = _spmm(dad, row, col, mask, n)
    ratio = jnp.nan_to_num(numerator / denominator)
    return ratio @ W.T + b

if __name__ == "__main__":
    import jax
    _d = setup_inputs()
    print(jax.jit(kernel)(*tuple(_d.values())))

</pallas_src>

<mosaic_0001>
#map = affine_map<(d0, d1) -> (0, 0, 0)>
#map1 = affine_map<(d0, d1) -> (0, 0)>
module attributes {stable_mosaic.version = 14 : i64} {
  func.func @_deg_kernel(%arg0: i32, %arg1: i32, %arg2: memref<2560x1x128xi32, #tpu.memory_space<hbm>>, %arg3: memref<32x10240xf32, #tpu.memory_space<hbm>>, %arg4: memref<80x1x128xi32, #tpu.memory_space<vmem>>, %arg5: memref<10240xf32, #tpu.memory_space<vmem>>) attributes {dimension_semantics = [#tpu.dimension_semantics<core_parallel>, #tpu.dimension_semantics<subcore_parallel>], iteration_bounds = array<i64: 2, 16>, scalar_prefetch = 0 : i64, scratch_operands = 2 : i64, tpu.core_type = #tpu.core_type<sc_vector_subcore>, window_params = [{transform_indices = #map}, {transform_indices = #map1}]} {
    %mul3A = arith.constant 16 : i32
    %mul3A_0 = arith.muli %arg0, %mul3A : i32
    %add3A = arith.addi %mul3A_0, %arg1 : i32
    %mul3A_1 = arith.constant 80 : i32
    %mul3A_2 = arith.muli %add3A, %mul3A_1 : i32
    "tpu.region"() ({
      %run_scoped3A = tpu.sem_alloc : memref<!tpu.dma_semaphore, #tpu.memory_space<semaphore_mem>>
      %dma_start3A = arith.constant 0 : i32
      %dma_start3A_15 = arith.constant 0 : i32
      %dma_start3A_16 = tpu.memref_slice %arg2[%mul3A_2, %dma_start3A, %dma_start3A_15] : memref<2560x1x128xi32, #tpu.memory_space<hbm>> -> memref<80x1x128xi32, #tpu.memory_space<hbm>>
      %dma_start3A_17 = arith.constant 0 : i32
      %dma_start3A_18 = arith.constant 0 : i32
      %dma_start3A_19 = tpu.memref_slice %arg2[%mul3A_2, %dma_start3A_17, %dma_start3A_18] : memref<2560x1x128xi32, #tpu.memory_space<hbm>> -> memref<80x1x128xi32, #tpu.memory_space<hbm>>
      tpu.enqueue_dma source(%dma_start3A_19 : memref<80x1x128xi32, #tpu.memory_space<hbm>>) target(%arg4 : memref<80x1x128xi32, #tpu.memory_space<vmem>>) target_semaphore(%run_scoped3A : memref<!tpu.dma_semaphore, #tpu.memory_space<semaphore_mem>>)
      %dma_wait3A = arith.constant 0 : i32
      %dma_wait3A_20 = arith.constant 0 : i32
      %dma_wait3A_21 = tpu.memref_slice %arg2[%mul3A_2, %dma_wait3A, %dma_wait3A_20] : memref<2560x1x128xi32, #tpu.memory_space<hbm>> -> memref<80x1x128xi32, #tpu.memory_space<hbm>>
      %dma_wait3A_22 = arith.constant 0 : i32
      %dma_wait3A_23 = arith.constant 0 : i32
      %dma_wait3A_24 = tpu.memref_slice %arg2[%mul3A_2, %dma_wait3A_22, %dma_wait3A_23] : memref<2560x1x128xi32, #tpu.memory_space<hbm>> -> memref<80x1x128xi32, #tpu.memory_space<hbm>>
      tpu.wait_dma2 semaphore(%run_scoped3A : memref<!tpu.dma_semaphore, #tpu.memory_space<semaphore_mem>>) src(%dma_wait3A_24 : memref<80x1x128xi32, #tpu.memory_space<hbm>>) dst(%arg4 : memref<80x1x128xi32, #tpu.memory_space<vmem>>)
      tpu.yield
    }) : () -> ()
    %scan3A = arith.constant 0 : i32
    %scan3A_3 = arith.constant 0 : i32
    %scan3A_4 = arith.constant 640 : i32
    %scan3A_5 = arith.addi %scan3A_3, %scan3A_4 : i32
    %scan3A_6 = arith.constant 1 : i32
    scf.for %scan3A_15 = %scan3A_3 to %scan3A_5 step %scan3A_6  : i32 {
      %broadcast_in_dim3A_16 = arith.constant 0.000000e+00 : f32
      %broadcast_in_dim3A_17 = vector.broadcast %broadcast_in_dim3A_16 : f32 to vector<16xf32>
      %mul3A_18 = arith.constant 16 : i32
      %mul3A_19 = arith.muli %scan3A_15, %mul3A_18 : i32
      %swap3A = arith.index_cast %mul3A_19 : i32 to index
      %swap3A_20 = tpu.vector_load %arg5[%swap3A] {strides = array<i32>} : memref<10240xf32, #tpu.memory_space<vmem>>, vector<16xf32>,
      tpu.vector_store %arg5[%swap3A], %broadcast_in_dim3A_17 {strides = array<i32>} : memref<10240xf32, #tpu.memory_space<vmem>>, vector<16xf32>,
    }
    %scan3A_7 = arith.constant 640 : i32
    %broadcast_in_dim3A = arith.constant 1.000000e+00 : f32
    %broadcast_in_dim3A_8 = vector.broadcast %broadcast_in_dim3A : f32 to vector<16xf32>
    %scan3A_9 = arith.constant 0 : i32
    %scan3A_10 = arith.constant 0 : i32
    %scan3A_11 = arith.constant 80 : i32
    %scan3A_12 = arith.addi %scan3A_10, %scan3A_11 : i32
    %scan3A_13 = arith.constant 1 : i32
    scf.for %scan3A_15 = %scan3A_10 to %scan3A_12 step %scan3A_13  : i32 {
      %get3A = arith.constant 0 : i32
      %get3A_16 = arith.index_cast %scan3A_15 : i32 to index
      %get3A_17 = arith.index_cast %get3A : i32 to index
      %get3A_18 = arith.constant 0 : index
      %get3A_19 = tpu.vector_load %arg4[%get3A_16, %get3A_17, %get3A_18] {strides = array<i32>} : memref<80x1x128xi32, #tpu.memory_space<vmem>>, vector<16xi32>,
      tpu.vector_store_idx %arg5[%get3A_19], %broadcast_in_dim3A_8 {add = true} : memref<10240xf32, #tpu.memory_space<vmem>>[vector<16xi32>], vector<16xf32>,
      %get3A_20 = arith.constant 0 : i32
      %get3A_21 = arith.index_cast %scan3A_15 : i32 to index
      %get3A_22 = arith.index_cast %get3A_20 : i32 to index
      %get3A_23 = arith.constant 16 : index
      %get3A_24 = tpu.vector_load %arg4[%get3A_21, %get3A_22, %get3A_23] {strides = array<i32>} : memref<80x1x128xi32, #tpu.memory_space<vmem>>, vector<16xi32>,
      tpu.vector_store_idx %arg5[%get3A_24], %broadcast_in_dim3A_8 {add = true} : memref<10240xf32, #tpu.memory_space<vmem>>[vector<16xi32>], vector<16xf32>,
      %get3A_25 = arith.constant 0 : i32
      %get3A_26 = arith.index_cast %scan3A_15 : i32 to index
      %get3A_27 = arith.index_cast %get3A_25 : i32 to index
      %get3A_28 = arith.constant 32 : index
      %get3A_29 = tpu.vector_load %arg4[%get3A_26, %get3A_27, %get3A_28] {strides = array<i32>} : memref<80x1x128xi32, #tpu.memory_space<vmem>>, vector<16xi32>,
      tpu.vector_store_idx %arg5[%get3A_29], %broadcast_in_dim3A_8 {add = true} : memref<10240xf32, #tpu.memory_space<vmem>>[vector<16xi32>], vector<16xf32>,
      %get3A_30 = arith.constant 0 : i32
      %get3A_31 = arith.index_cast %scan3A_15 : i32 to index
      %get3A_32 = arith.index_cast %get3A_30 : i32 to index
      %get3A_33 = arith.constant 48 : index
      %get3A_34 = tpu.vector_load %arg4[%get3A_31, %get3A_32, %get3A_33] {strides = array<i32>} : memref<80x1x128xi32, #tpu.memory_space<vmem>>, vector<16xi32>,
      tpu.vector_store_idx %arg5[%get3A_34], %broadcast_in_dim3A_8 {add = true} : memref<10240xf32, #tpu.memory_space<vmem>>[vector<16xi32>], vector<16xf32>,
      %get3A_35 = arith.constant 0 : i32
      %get3A_36 = arith.index_cast %scan3A_15 : i32 to index
      %get3A_37 = arith.index_cast %get3A_35 : i32 to index
      %get3A_38 = arith.constant 64 : index
      %get3A_39 = tpu.vector_load %arg4[%get3A_36, %get3A_37, %get3A_38] {strides = array<i32>} : memref<80x1x128xi32, #tpu.memory_space<vmem>>, vector<16xi32>,
      tpu.vector_store_idx %arg5[%get3A_39], %broadcast_in_dim3A_8 {add = true} : memref<10240xf32, #tpu.memory_space<vmem>>[vector<16xi32>], vector<16xf32>,
      %get3A_40 = arith.constant 0 : i32
      %get3A_41 = arith.index_cast %scan3A_15 : i32 to index
      %get3A_42 = arith.index_cast %get3A_40 : i32 to index
      %get3A_43 = arith.constant 80 : index
      %get3A_44 = tpu.vector_load %arg4[%get3A_41, %get3A_42, %get3A_43] {strides = array<i32>} : memref<80x1x128xi32, #tpu.memory_space<vmem>>, vector<16xi32>,
      tpu.vector_store_idx %arg5[%get3A_44], %broadcast_in_dim3A_8 {add = true} : memref<10240xf32, #tpu.memory_space<vmem>>[vector<16xi32>], vector<16xf32>,
      %get3A_45 = arith.constant 0 : i32
      %get3A_46 = arith.index_cast %scan3A_15 : i32 to index
      %get3A_47 = arith.index_cast %get3A_45 : i32 to index
      %get3A_48 = arith.constant 96 : index
      %get3A_49 = tpu.vector_load %arg4[%get3A_46, %get3A_47, %get3A_48] {strides = array<i32>} : memref<80x1x128xi32, #tpu.memory_space<vmem>>, vector<16xi32>,
      tpu.vector_store_idx %arg5[%get3A_49], %broadcast_in_dim3A_8 {add = true} : memref<10240xf32, #tpu.memory_space<vmem>>[vector<16xi32>], vector<16xf32>,
      %get3A_50 = arith.constant 0 : i32
      %get3A_51 = arith.index_cast %scan3A_15 : i32 to index
      %get3A_52 = arith.index_cast %get3A_50 : i32 to index
      %get3A_53 = arith.constant 112 : index
      %get3A_54 = tpu.vector_load %arg4[%get3A_51, %get3A_52, %get3A_53] {strides = array<i32>} : memref<80x1x128xi32, #tpu.memory_space<vmem>>, vector<16xi32>,
      tpu.vector_store_idx %arg5[%get3A_54], %broadcast_in_dim3A_8 {add = true} : memref<10240xf32, #tpu.memory_space<vmem>>[vector<16xi32>], vector<16xf32>,
    }
    %scan3A_14 = arith.constant 80 : i32
    "tpu.region"() ({
      %run_scoped3A = tpu.sem_alloc : memref<!tpu.dma_semaphore, #tpu.memory_space<semaphore_mem>>
      %dma_start3A = arith.constant 0 : i32
      %dma_start3A_15 = tpu.memref_slice %arg3[%add3A, %dma_start3A] : memref<32x10240xf32, #tpu.memory_space<hbm>> -> memref<1x10240xf32, #tpu.memory_space<hbm>>
      %dma_start3A_16 = tpu.memref_squeeze %dma_start3A_15 : memref<1x10240xf32, #tpu.memory_space<hbm>> -> memref<10240xf32, #tpu.memory_space<hbm>>
      %dma_start3A_17 = arith.constant 0 : i32
      %dma_start3A_18 = tpu.memref_slice %arg3[%add3A, %dma_start3A_17] : memref<32x10240xf32, #tpu.memory_space<hbm>> -> memref<1x10240xf32, #tpu.memory_space<hbm>>
      %dma_start3A_19 = tpu.memref_squeeze %dma_start3A_18 : memref<1x10240xf32, #tpu.memory_space<hbm>> -> memref<10240xf32, #tpu.memory_space<hbm>>
      tpu.enqueue_dma source(%arg5 : memref<10240xf32, #tpu.memory_space<vmem>>) target(%dma_start3A_19 : memref<10240xf32, #tpu.memory_space<hbm>>) target_semaphore(%run_scoped3A : memref<!tpu.dma_semaphore, #tpu.memory_space<semaphore_mem>>)
      %dma_wait3A = arith.constant 0 : i32
      %dma_wait3A_20 = tpu.memref_slice %arg3[%add3A, %dma_wait3A] : memref<32x10240xf32, #tpu.memory_space<hbm>> -> memref<1x10240xf32, #tpu.memory_space<hbm>>
      %dma_wait3A_21 = tpu.memref_squeeze %dma_wait3A_20 : memref<1x10240xf32, #tpu.memory_space<hbm>> -> memref<10240xf32, #tpu.memory_space<hbm>>
      %dma_wait3A_22 = arith.constant 0 : i32
      %dma_wait3A_23 = tpu.memref_slice %arg3[%add3A, %dma_wait3A_22] : memref<32x10240xf32, #tpu.memory_space<hbm>> -> memref<1x10240xf32, #tpu.memory_space<hbm>>
      %dma_wait3A_24 = tpu.memref_squeeze %dma_wait3A_23 : memref<1x10240xf32, #tpu.memory_space<hbm>> -> memref<10240xf32, #tpu.memory_space<hbm>>
      tpu.wait_dma2 semaphore(%run_scoped3A : memref<!tpu.dma_semaphore, #tpu.memory_space<semaphore_mem>>) src(%arg5 : memref<10240xf32, #tpu.memory_space<vmem>>) dst(%dma_wait3A_24 : memref<10240xf32, #tpu.memory_space<hbm>>)
      tpu.yield
    }) : () -> ()
    return
  }
}

#map = affine_map<(d0, d1) -> (0, 0, 0)>
module attributes {stable_mosaic.version = 14 : i64} {
  func.func @_main_kernel(%arg0: i32, %arg1: i32, %arg2: memref<2560x1x128xi32, #tpu.memory_space<hbm>>, %arg3: memref<2560x1x128xi32, #tpu.memory_space<hbm>>, %arg4: memref<10240x2x128xbf16, #tpu.memory_space<hbm>>, %arg5: memref<10240x2x128xbf16, #tpu.memory_space<hbm>>, %arg6: memref<20480x2x128xbf16, #tpu.memory_space<hbm>>, %arg7: memref<10240x2x128xbf16, #tpu.memory_space<vmem_shared>>, %arg8: memref<40x1x128xi32, #tpu.memory_space<vmem>>, %arg9: memref<40x1x128xi32, #tpu.memory_space<vmem>>, %arg10: memref<2x128x2x128xbf16, #tpu.memory_space<vmem>>, %arg11: memref<!tpu.dma_semaphore, #tpu.memory_space<semaphore_mem>>, %arg12: memref<!tpu.dma_semaphore, #tpu.memory_space<semaphore_mem>>) attributes {dimension_semantics = [#tpu.dimension_semantics<core_parallel>, #tpu.dimension_semantics<subcore_parallel>], iteration_bounds = array<i64: 2, 16>, scalar_prefetch = 0 : i64, scratch_operands = 6 : i64, tpu.core_type = #tpu.core_type<sc_vector_subcore>, window_params = [{transform_indices = #map}, {transform_indices = #map}, {transform_indices = #map}, {transform_indices = #map}, {transform_indices = #map}]} {
    %mul3A = arith.constant 640 : i32
    %mul3A_0 = arith.muli %arg1, %mul3A : i32
    %mul3A_1 = arith.constant 640 : i32
    %mul3A_2 = arith.muli %arg1, %mul3A_1 : i32
    "tpu.region"() ({
      %run_scoped3A_170 = tpu.sem_alloc : memref<!tpu.dma_semaphore, #tpu.memory_space<semaphore_mem>>
      %dma_start3A_171 = arith.constant 0 : i32
      %dma_start3A_172 = arith.constant 0 : i32
      %dma_start3A_173 = tpu.memref_slice %arg7[%mul3A_2, %dma_start3A_171, %dma_start3A_172] : memref<10240x2x128xbf16, #tpu.memory_space<vmem_shared>> -> memref<640x2x128xbf16, #tpu.memory_space<vmem_shared>>
      %dma_start3A_174 = arith.constant 0 : i32
      %dma_start3A_175 = arith.constant 0 : i32
      %dma_start3A_176 = tpu.memref_slice %arg5[%mul3A_0, %dma_start3A_174, %dma_start3A_175] : memref<10240x2x128xbf16, #tpu.memory_space<hbm>> -> memref<640x2x128xbf16, #tpu.memory_space<hbm>>
      tpu.enqueue_dma source(%dma_start3A_176 : memref<640x2x128xbf16, #tpu.memory_space<hbm>>) target(%dma_start3A_173 : memref<640x2x128xbf16, #tpu.memory_space<vmem_shared>>) target_semaphore(%run_scoped3A_170 : memref<!tpu.dma_semaphore, #tpu.memory_space<semaphore_mem>>)
      %dma_wait3A_177 = arith.constant 0 : i32
      %dma_wait3A_178 = arith.constant 0 : i32
      %dma_wait3A_179 = tpu.memref_slice %arg7[%mul3A_2, %dma_wait3A_177, %dma_wait3A_178] : memref<10240x2x128xbf16, #tpu.memory_space<vmem_shared>> -> memref<640x2x128xbf16, #tpu.memory_space<vmem_shared>>
      %dma_wait3A_180 = arith.constant 0 : i32
      %dma_wait3A_181 = arith.constant 0 : i32
      %dma_wait3A_182 = tpu.memref_slice %arg5[%mul3A_0, %dma_wait3A_180, %dma_wait3A_181] : memref<10240x2x128xbf16, #tpu.memory_space<hbm>> -> memref<640x2x128xbf16, #tpu.memory_space<hbm>>
      tpu.wait_dma2 semaphore(%run_scoped3A_170 : memref<!tpu.dma_semaphore, #tpu.memory_space<semaphore_mem>>) src(%dma_wait3A_182 : memref<640x2x128xbf16, #tpu.memory_space<hbm>>) dst(%dma_wait3A_179 : memref<640x2x128xbf16, #tpu.memory_space<vmem_shared>>)
      tpu.yield
    }) : () -> ()
    %barrier3A = arith.constant 0 : index
    tpu.barrier barrier_id(%barrier3A)
    %sub3A = arith.constant 1 : i32
    %sub3A_3 = arith.subi %sub3A, %arg0 : i32
    %mul3A_4 = arith.constant 16 : i32
    %mul3A_5 = arith.muli %sub3A_3, %mul3A_4 : i32
    %add3A = arith.addi %mul3A_5, %arg1 : i32
    %mul3A_6 = arith.constant 80 : i32
    %mul3A_7 = arith.muli %add3A, %mul3A_6 : i32
    %add3A_8 = arith.constant 0 : i32
    %add3A_9 = arith.addi %mul3A_7, %add3A_8 : i32
    "tpu.region"() ({
      %run_scoped3A_170 = tpu.sem_alloc : memref<!tpu.dma_semaphore, #tpu.memory_space<semaphore_mem>>
      %dma_start3A_171 = arith.constant 0 : i32
      %dma_start3A_172 = arith.constant 0 : i32
      %dma_start3A_173 = tpu.memref_slice %arg2[%add3A_9, %dma_start3A_171, %dma_start3A_172] : memref<2560x1x128xi32, #tpu.memory_space<hbm>> -> memref<40x1x128xi32, #tpu.memory_space<hbm>>
      %dma_start3A_174 = arith.constant 0 : i32
      %dma_start3A_175 = arith.constant 0 : i32
      %dma_start3A_176 = tpu.memref_slice %arg2[%add3A_9, %dma_start3A_174, %dma_start3A_175] : memref<2560x1x128xi32, #tpu.memory_space<hbm>> -> memref<40x1x128xi32, #tpu.memory_space<hbm>>
      tpu.enqueue_dma source(%dma_start3A_176 : memref<40x1x128xi32, #tpu.memory_space<hbm>>) target(%arg8 : memref<40x1x128xi32, #tpu.memory_space<vmem>>) target_semaphore(%run_scoped3A_170 : memref<!tpu.dma_semaphore, #tpu.memory_space<semaphore_mem>>)
      %dma_wait3A_177 = arith.constant 0 : i32
      %dma_wait3A_178 = arith.constant 0 : i32
      %dma_wait3A_179 = tpu.memref_slice %arg2[%add3A_9, %dma_wait3A_177, %dma_wait3A_178] : memref<2560x1x128xi32, #tpu.memory_space<hbm>> -> memref<40x1x128xi32, #tpu.memory_space<hbm>>
      %dma_wait3A_180 = arith.constant 0 : i32
      %dma_wait3A_181 = arith.constant 0 : i32
      %dma_wait3A_182 = tpu.memref_slice %arg2[%add3A_9, %dma_wait3A_180, %dma_wait3A_181] : memref<2560x1x128xi32, #tpu.memory_space<hbm>> -> memref<40x1x128xi32, #tpu.memory_space<hbm>>
      tpu.wait_dma2 semaphore(%run_scoped3A_170 : memref<!tpu.dma_semaphore, #tpu.memory_space<semaphore_mem>>) src(%dma_wait3A_182 : memref<40x1x128xi32, #tpu.memory_space<hbm>>) dst(%arg8 : memref<40x1x128xi32, #tpu.memory_space<vmem>>)
      tpu.yield
    }) : () -> ()
    %mul3A_10 = arith.constant 80 : i32
    %mul3A_11 = arith.muli %add3A, %mul3A_10 : i32
    %add3A_12 = arith.constant 0 : i32
    %add3A_13 = arith.addi %mul3A_11, %add3A_12 : i32
    "tpu.region"() ({
      %run_scoped3A_170 = tpu.sem_alloc : memref<!tpu.dma_semaphore, #tpu.memory_space<semaphore_mem>>
      %dma_start3A_171 = arith.constant 0 : i32
      %dma_start3A_172 = arith.constant 0 : i32
      %dma_start3A_173 = tpu.memref_slice %arg3[%add3A_13, %dma_start3A_171, %dma_start3A_172] : memref<2560x1x128xi32, #tpu.memory_space<hbm>> -> memref<40x1x128xi32, #tpu.memory_space<hbm>>
      %dma_start3A_174 = arith.constant 0 : i32
      %dma_start3A_175 = arith.constant 0 : i32
      %dma_start3A_176 = tpu.memref_slice %arg3[%add3A_13, %dma_start3A_174, %dma_start3A_175] : memref<2560x1x128xi32, #tpu.memory_space<hbm>> -> memref<40x1x128xi32, #tpu.memory_space<hbm>>
      tpu.enqueue_dma source(%dma_start3A_176 : memref<40x1x128xi32, #tpu.memory_space<hbm>>) target(%arg9 : memref<40x1x128xi32, #tpu.memory_space<vmem>>) target_semaphore(%run_scoped3A_170 : memref<!tpu.dma_semaphore, #tpu.memory_space<semaphore_mem>>)
      %dma_wait3A_177 = arith.constant 0 : i32
      %dma_wait3A_178 = arith.constant 0 : i32
      %dma_wait3A_179 = tpu.memref_slice %arg3[%add3A_13, %dma_wait3A_177, %dma_wait3A_178] : memref<2560x1x128xi32, #tpu.memory_space<hbm>> -> memref<40x1x128xi32, #tpu.memory_space<hbm>>
      %dma_wait3A_180 = arith.constant 0 : i32
      %dma_wait3A_181 = arith.constant 0 : i32
      %dma_wait3A_182 = tpu.memref_slice %arg3[%add3A_13, %dma_wait3A_180, %dma_wait3A_181] : memref<2560x1x128xi32, #tpu.memory_space<hbm>> -> memref<40x1x128xi32, #tpu.memory_space<hbm>>
      tpu.wait_dma2 semaphore(%run_scoped3A_170 : memref<!tpu.dma_semaphore, #tpu.memory_space<semaphore_mem>>) src(%dma_wait3A_182 : memref<40x1x128xi32, #tpu.memory_space<hbm>>) dst(%arg9 : memref<40x1x128xi32, #tpu.memory_space<vmem>>)
      tpu.yield
    }) : () -> ()
    %dma_start3A = arith.constant 0 : i32
    %dma_start3A_14 = arith.constant 0 : i32
    %dma_start3A_15 = arith.constant 0 : i32
    %dma_start3A_16 = arith.constant 0 : i32
    %dma_start3A_17 = arith.constant 0 : i32
    %dma_start3A_18 = arith.constant 0 : i32
    %dma_start3A_19 = tpu.memref_slice %arg10[%dma_start3A_15, %dma_start3A_16, %dma_start3A_17, %dma_start3A_18] : memref<2x128x2x128xbf16, #tpu.memory_space<vmem>> -> memref<1x128x2x128xbf16, #tpu.memory_space<vmem>>
    %dma_start3A_20 = tpu.memref_squeeze %dma_start3A_19 : memref<1x128x2x128xbf16, #tpu.memory_space<vmem>> -> memref<128x2x128xbf16, #tpu.memory_space<vmem>>
    %dma_start3A_21 = arith.constant 0 : i32
    %dma_start3A_22 = tpu.memref_slice %arg8[%dma_start3A, %dma_start3A_14, %dma_start3A_21] : memref<40x1x128xi32, #tpu.memory_space<vmem>> -> memref<1x1x128xi32, #tpu.memory_space<vmem>>
    %dma_start3A_23 = tpu.memref_squeeze %dma_start3A_22 : memref<1x1x128xi32, #tpu.memory_space<vmem>> -> memref<128xi32, #tpu.memory_space<vmem>>
    %dma_start3A_24 = arith.constant 0 : i32
    %dma_start3A_25 = arith.constant 0 : i32
    %dma_start3A_26 = arith.constant 0 : i32
    %dma_start3A_27 = tpu.memref_slice %arg4[%dma_start3A_24, %dma_start3A_25, %dma_start3A_26] : memref<10240x2x128xbf16, #tpu.memory_space<hbm>> -> memref<10240x2x128xbf16, #tpu.memory_space<hbm>>
    tpu.enqueue_indirect_dma source(%dma_start3A_27 : memref<10240x2x128xbf16, #tpu.memory_space<hbm>>) target(%dma_start3A_20 : memref<128x2x128xbf16, #tpu.memory_space<vmem>>) offsets(%dma_start3A_23 : memref<128xi32, #tpu.memory_space<vmem>>) semaphore(%arg11 : memref<!tpu.dma_semaphore, #tpu.memory_space<semaphore_mem>>)
    %dma_start3A_28 = arith.constant 1 : i32
    %dma_start3A_29 = arith.constant 0 : i32
    %dma_start3A_30 = arith.constant 1 : i32
    %dma_start3A_31 = arith.constant 0 : i32
    %dma_start3A_32 = arith.constant 0 : i32
    %dma_start3A_33 = arith.constant 0 : i32
    %dma_start3A_34 = tpu.memref_slice %arg10[%dma_start3A_30, %dma_start3A_31, %dma_start3A_32, %dma_start3A_33] : memref<2x128x2x128xbf16, #tpu.memory_space<vmem>> -> memref<1x128x2x128xbf16, #tpu.memory_space<vmem>>
    %dma_start3A_35 = tpu.memref_squeeze %dma_start3A_34 : memref<1x128x2x128xbf16, #tpu.memory_space<vmem>> -> memref<128x2x128xbf16, #tpu.memory_space<vmem>>
    %dma_start3A_36 = arith.constant 0 : i32
    %dma_start3A_37 = tpu.memref_slice %arg8[%dma_start3A_28, %dma_start3A_29, %dma_start3A_36] : memref<40x1x128xi32, #tpu.memory_space<vmem>> -> memref<1x1x128xi32, #tpu.memory_space<vmem>>
    %dma_start3A_38 = tpu.memref_squeeze %dma_start3A_37 : memref<1x1x128xi32, #tpu.memory_space<vmem>> -> memref<128xi32, #tpu.memory_space<vmem>>
    %dma_start3A_39 = arith.constant 0 : i32
    %dma_start3A_40 = arith.constant 0 : i32
    %dma_start3A_41 = arith.constant 0 : i32
    %dma_start3A_42 = tpu.memref_slice %arg4[%dma_start3A_39, %dma_start3A_40, %dma_start3A_41] : memref<10240x2x128xbf16, #tpu.memory_space<hbm>> -> memref<10240x2x128xbf16, #tpu.memory_space<hbm>>
    tpu.enqueue_indirect_dma source(%dma_start3A_42 : memref<10240x2x128xbf16, #tpu.memory_space<hbm>>) target(%dma_start3A_35 : memref<128x2x128xbf16, #tpu.memory_space<vmem>>) offsets(%dma_start3A_38 : memref<128xi32, #tpu.memory_space<vmem>>) semaphore(%arg12 : memref<!tpu.dma_semaphore, #tpu.memory_space<semaphore_mem>>)
    %scan3A = arith.constant 0 : i32
    %scan3A_43 = arith.constant 0 : i32
    %scan3A_44 = arith.constant 19 : i32
    %scan3A_45 = arith.addi %scan3A_43, %scan3A_44 : i32
    %scan3A_46 = arith.constant 1 : i32
    scf.for %scan3A_170 = %scan3A_43 to %scan3A_45 step %scan3A_46  : i32 {
      %mul3A_171 = arith.constant 2 : i32
      %mul3A_172 = arith.muli %mul3A_171, %scan3A_170 : i32
      %dma_wait3A_173 = arith.constant 0 : i32
      %dma_wait3A_174 = arith.constant 0 : i32
      %dma_wait3A_175 = arith.constant 0 : i32
      %dma_wait3A_176 = arith.constant 0 : i32
      %dma_wait3A_177 = arith.constant 0 : i32
      %dma_wait3A_178 = tpu.memref_slice %arg10[%dma_wait3A_174, %dma_wait3A_175, %dma_wait3A_176, %dma_wait3A_177] : memref<2x128x2x128xbf16, #tpu.memory_space<vmem>> -> memref<1x128x2x128xbf16, #tpu.memory_space<vmem>>
      %dma_wait3A_179 = tpu.memref_squeeze %dma_wait3A_178 : memref<1x128x2x128xbf16, #tpu.memory_space<vmem>> -> memref<128x2x128xbf16, #tpu.memory_space<vmem>>
      %dma_wait3A_180 = arith.constant 0 : i32
      %dma_wait3A_181 = tpu.memref_slice %arg8[%mul3A_172, %dma_wait3A_173, %dma_wait3A_180] : memref<40x1x128xi32, #tpu.memory_space<vmem>> -> memref<1x1x128xi32, #tpu.memory_space<vmem>>
      %dma_wait3A_182 = tpu.memref_squeeze %dma_wait3A_181 : memref<1x1x128xi32, #tpu.memory_space<vmem>> -> memref<128xi32, #tpu.memory_space<vmem>>
      %dma_wait3A_183 = arith.constant 0 : i32
      %dma_wait3A_184 = arith.constant 0 : i32
      %dma_wait3A_185 = arith.constant 0 : i32
      %dma_wait3A_186 = tpu.memref_slice %arg4[%dma_wait3A_183, %dma_wait3A_184, %dma_wait3A_185] : memref<10240x2x128xbf16, #tpu.memory_space<hbm>> -> memref<10240x2x128xbf16, #tpu.memory_space<hbm>>
      tpu.wait_indirect_dma semaphore(%arg11 : memref<!tpu.dma_semaphore, #tpu.memory_space<semaphore_mem>>) src(%dma_wait3A_186 : memref<10240x2x128xbf16, #tpu.memory_space<hbm>>) dst(%dma_wait3A_179 : memref<128x2x128xbf16, #tpu.memory_space<vmem>>)
      %run_scoped3A_187 = arith.constant 0 : i32
      %run_scoped3A_188 = arith.constant 0 : i32
      "tpu.region"() ({
        %run_scoped3A_241 = tpu.sem_alloc : memref<!tpu.dma_semaphore, #tpu.memory_space<semaphore_mem>>
        %dma_start3A_242 = arith.constant 0 : i32
        %dma_start3A_243 = arith.constant 0 : i32
        %dma_start3A_244 = arith.constant 0 : i32
        %dma_start3A_245 = tpu.memref_slice %arg10[%run_scoped3A_187, %dma_start3A_242, %dma_start3A_243, %dma_start3A_244] : memref<2x128x2x128xbf16, #tpu.memory_space<vmem>> -> memref<1x128x2x128xbf16, #tpu.memory_space<vmem>>
        %dma_start3A_246 = tpu.memref_squeeze %dma_start3A_245 : memref<1x128x2x128xbf16, #tpu.memory_space<vmem>> -> memref<128x2x128xbf16, #tpu.memory_space<vmem>>
        %dma_start3A_247 = arith.constant 0 : i32
        %dma_start3A_248 = tpu.memref_slice %arg9[%mul3A_172, %run_scoped3A_188, %dma_start3A_247] : memref<40x1x128xi32, #tpu.memory_space<vmem>> -> memref<1x1x128xi32, #tpu.memory_space<vmem>>
        %dma_start3A_249 = tpu.memref_squeeze %dma_start3A_248 : memref<1x1x128xi32, #tpu.memory_space<vmem>> -> memref<128xi32, #tpu.memory_space<vmem>>
        %dma_start3A_250 = arith.constant 0 : i32
        %dma_start3A_251 = arith.constant 0 : i32
        %dma_start3A_252 = arith.constant 0 : i32
        %dma_start3A_253 = tpu.memref_slice %arg7[%dma_start3A_250, %dma_start3A_251, %dma_start3A_252] : memref<10240x2x128xbf16, #tpu.memory_space<vmem_shared>> -> memref<10240x2x128xbf16, #tpu.memory_space<vmem_shared>>
        tpu.enqueue_indirect_dma source(%dma_start3A_246 : memref<128x2x128xbf16, #tpu.memory_space<vmem>>) target(%dma_start3A_253 : memref<10240x2x128xbf16, #tpu.memory_space<vmem_shared>>) offsets(%dma_start3A_249 : memref<128xi32, #tpu.memory_space<vmem>>) semaphore(%run_scoped3A_241 : memref<!tpu.dma_semaphore, #tpu.memory_space<semaphore_mem>>) {add = true}
        %dma_wait3A_254 = arith.constant 0 : i32
        %dma_wait3A_255 = arith.constant 0 : i32
        %dma_wait3A_256 = arith.constant 0 : i32
        %dma_wait3A_257 = tpu.memref_slice %arg10[%run_scoped3A_187, %dma_wait3A_254, %dma_wait3A_255, %dma_wait3A_256] : memref<2x128x2x128xbf16, #tpu.memory_space<vmem>> -> memref<1x128x2x128xbf16, #tpu.memory_space<vmem>>
        %dma_wait3A_258 = tpu.memref_squeeze %dma_wait3A_257 : memref<1x128x2x128xbf16, #tpu.memory_space<vmem>> -> memref<128x2x128xbf16, #tpu.memory_space<vmem>>
        %dma_wait3A_259 = arith.constant 0 : i32
        %dma_wait3A_260 = tpu.memref_slice %arg9[%mul3A_172, %run_scoped3A_188, %dma_wait3A_259] : memref<40x1x128xi32, #tpu.memory_space<vmem>> -> memref<1x1x128xi32, #tpu.memory_space<vmem>>
        %dma_wait3A_261 = tpu.memref_squeeze %dma_wait3A_260 : memref<1x1x128xi32, #tpu.memory_space<vmem>> -> memref<128xi32, #tpu.memory_space<vmem>>
        %dma_wait3A_262 = arith.constant 0 : i32
        %dma_wait3A_263 = arith.constant 0 : i32
        %dma_wait3A_264 = arith.constant 0 : i32
        %dma_wait3A_265 = tpu.memref_slice %arg7[%dma_wait3A_262, %dma_wait3A_263, %dma_wait3A_264] : memref<10240x2x128xbf16, #tpu.memory_space<vmem_shared>> -> memref<10240x2x128xbf16, #tpu.memory_space<vmem_shared>>
        tpu.wait_indirect_dma semaphore(%run_scoped3A_241 : memref<!tpu.dma_semaphore, #tpu.memory_space<semaphore_mem>>) src(%dma_wait3A_258 : memref<128x2x128xbf16, #tpu.memory_space<vmem>>) dst(%dma_wait3A_265 : memref<10240x2x128xbf16, #tpu.memory_space<vmem_shared>>)
        tpu.yield
      }) : () -> ()
      %add3A_189 = arith.constant 2 : i32
      %add3A_190 = arith.addi %mul3A_172, %add3A_189 : i32
      %dma_start3A_191 = arith.constant 0 : i32
      %dma_start3A_192 = arith.constant 0 : i32
      %dma_start3A_193 = arith.constant 0 : i32
      %dma_start3A_194 = arith.constant 0 : i32
      %dma_start3A_195 = arith.constant 0 : i32
      %dma_start3A_196 = tpu.memref_slice %arg10[%dma_start3A_192, %dma_start3A_193, %dma_start3A_194, %dma_start3A_195] : memref<2x128x2x128xbf16, #tpu.memory_space<vmem>> -> memref<1x128x2x128xbf16, #tpu.memory_space<vmem>>
      %dma_start3A_197 = tpu.memref_squeeze %dma_start3A_196 : memref<1x128x2x128xbf16, #tpu.memory_space<vmem>> -> memref<128x2x128xbf16, #tpu.memory_space<vmem>>
      %dma_start3A_198 = arith.constant 0 : i32
      %dma_start3A_199 = tpu.memref_slice %arg8[%add3A_190, %dma_start3A_191, %dma_start3A_198] : memref<40x1x128xi32, #tpu.memory_space<vmem>> -> memref<1x1x128xi32, #tpu.memory_space<vmem>>
      %dma_start3A_200 = tpu.memref_squeeze %dma_start3A_199 : memref<1x1x128xi32, #tpu.memory_space<vmem>> -> memref<128xi32, #tpu.memory_space<vmem>>
      %dma_start3A_201 = arith.constant 0 : i32
      %dma_start3A_202 = arith.constant 0 : i32
      %dma_start3A_203 = arith.constant 0 : i32
      %dma_start3A_204 = tpu.memref_slice %arg4[%dma_start3A_201, %dma_start3A_202, %dma_start3A_203] : memref<10240x2x128xbf16, #tpu.memory_space<hbm>> -> memref<10240x2x128xbf16, #tpu.memory_space<hbm>>
      tpu.enqueue_indirect_dma source(%dma_start3A_204 : memref<10240x2x128xbf16, #tpu.memory_space<hbm>>) target(%dma_start3A_197 : memref<128x2x128xbf16, #tpu.memory_space<vmem>>) offsets(%dma_start3A_200 : memref<128xi32, #tpu.memory_space<vmem>>) semaphore(%arg11 : memref<!tpu.dma_semaphore, #tpu.memory_space<semaphore_mem>>)
      %mul3A_205 = arith.constant 2 : i32
      %mul3A_206 = arith.muli %mul3A_205, %scan3A_170 : i32
      %add3A_207 = arith.constant 1 : i32
      %add3A_208 = arith.addi %mul3A_206, %add3A_207 : i32
      %dma_wait3A_209 = arith.constant 0 : i32
      %dma_wait3A_210 = arith.constant 1 : i32
      %dma_wait3A_211 = arith.constant 0 : i32
      %dma_wait3A_212 = arith.constant 0 : i32
      %dma_wait3A_213 = arith.constant 0 : i32
      %dma_wait3A_214 = tpu.memref_slice %arg10[%dma_wait3A_210, %dma_wait3A_211, %dma_wait3A_212, %dma_wait3A_213] : memref<2x128x2x128xbf16, #tpu.memory_space<vmem>> -> memref<1x128x2x128xbf16, #tpu.memory_space<vmem>>
      %dma_wait3A_215 = tpu.memref_squeeze %dma_wait3A_214 : memref<1x128x2x128xbf16, #tpu.memory_space<vmem>> -> memref<128x2x128xbf16, #tpu.memory_space<vmem>>
      %dma_wait3A_216 = arith.constant 0 : i32
      %dma_wait3A_217 = tpu.memref_slice %arg8[%add3A_208, %dma_wait3A_209, %dma_wait3A_216] : memref<40x1x128xi32, #tpu.memory_space<vmem>> -> memref<1x1x128xi32, #tpu.memory_space<vmem>>
      %dma_wait3A_218 = tpu.memref_squeeze %dma_wait3A_217 : memref<1x1x128xi32, #tpu.memory_space<vmem>> -> memref<128xi32, #tpu.memory_space<vmem>>
      %dma_wait3A_219 = arith.constant 0 : i32
      %dma_wait3A_220 = arith.constant 0 : i32
      %dma_wait3A_221 = arith.constant 0 : i32
      %dma_wait3A_222 = tpu.memref_slice %arg4[%dma_wait3A_219, %dma_wait3A_220, %dma_wait3A_221] : memref<10240x2x128xbf16, #tpu.memory_space<hbm>> -> memref<10240x2x128xbf16, #tpu.memory_space<hbm>>
      tpu.wait_indirect_dma semaphore(%arg12 : memref<!tpu.dma_semaphore, #tpu.memory_space<semaphore_mem>>) src(%dma_wait3A_222 : memref<10240x2x128xbf16, #tpu.memory_space<hbm>>) dst(%dma_wait3A_215 : memref<128x2x128xbf16, #tpu.memory_space<vmem>>)
      %run_scoped3A_223 = arith.constant 1 : i32
      %run_scoped3A_224 = arith.constant 0 : i32
      "tpu.region"() ({
        %run_scoped3A_241 = tpu.sem_alloc : memref<!tpu.dma_semaphore, #tpu.memory_space<semaphore_mem>>
        %dma_start3A_242 = arith.constant 0 : i32
        %dma_start3A_243 = arith.constant 0 : i32
        %dma_start3A_244 = arith.constant 0 : i32
        %dma_start3A_245 = tpu.memref_slice %arg10[%run_scoped3A_223, %dma_start3A_242, %dma_start3A_243, %dma_start3A_244] : memref<2x128x2x128xbf16, #tpu.memory_space<vmem>> -> memref<1x128x2x128xbf16, #tpu.memory_space<vmem>>
        %dma_start3A_246 = tpu.memref_squeeze %dma_start3A_245 : memref<1x128x2x128xbf16, #tpu.memory_space<vmem>> -> memref<128x2x128xbf16, #tpu.memory_space<vmem>>
        %dma_start3A_247 = arith.constant 0 : i32
        %dma_start3A_248 = tpu.memref_slice %arg9[%add3A_208, %run_scoped3A_224, %dma_start3A_247] : memref<40x1x128xi32, #tpu.memory_space<vmem>> -> memref<1x1x128xi32, #tpu.memory_space<vmem>>
        %dma_start3A_249 = tpu.memref_squeeze %dma_start3A_248 : memref<1x1x128xi32, #tpu.memory_space<vmem>> -> memref<128xi32, #tpu.memory_space<vmem>>
        %dma_start3A_250 = arith.constant 0 : i32
        %dma_start3A_251 = arith.constant 0 : i32
        %dma_start3A_252 = arith.constant 0 : i32
        %dma_start3A_253 = tpu.memref_slice %arg7[%dma_start3A_250, %dma_start3A_251, %dma_start3A_252] : memref<10240x2x128xbf16, #tpu.memory_space<vmem_shared>> -> memref<10240x2x128xbf16, #tpu.memory_space<vmem_shared>>
        tpu.enqueue_indirect_dma source(%dma_start3A_246 : memref<128x2x128xbf16, #tpu.memory_space<vmem>>) target(%dma_start3A_253 : memref<10240x2x128xbf16, #tpu.memory_space<vmem_shared>>) offsets(%dma_start3A_249 : memref<128xi32, #tpu.memory_space<vmem>>) semaphore(%run_scoped3A_241 : memref<!tpu.dma_semaphore, #tpu.memory_space<semaphore_mem>>) {add = true}
        %dma_wait3A_254 = arith.constant 0 : i32
        %dma_wait3A_255 = arith.constant 0 : i32
        %dma_wait3A_256 = arith.constant 0 : i32
        %dma_wait3A_257 = tpu.memref_slice %arg10[%run_scoped3A_223, %dma_wait3A_254, %dma_wait3A_255, %dma_wait3A_256] : memref<2x128x2x128xbf16, #tpu.memory_space<vmem>> -> memref<1x128x2x128xbf16, #tpu.memory_space<vmem>>
        %dma_wait3A_258 = tpu.memref_squeeze %dma_wait3A_257 : memref<1x128x2x128xbf16, #tpu.memory_space<vmem>> -> memref<128x2x128xbf16, #tpu.memory_space<vmem>>
        %dma_wait3A_259 = arith.constant 0 : i32
        %dma_wait3A_260 = tpu.memref_slice %arg9[%add3A_208, %run_scoped3A_224, %dma_wait3A_259] : memref<40x1x128xi32, #tpu.memory_space<vmem>> -> memref<1x1x128xi32, #tpu.memory_space<vmem>>
        %dma_wait3A_261 = tpu.memref_squeeze %dma_wait3A_260 : memref<1x1x128xi32, #tpu.memory_space<vmem>> -> memref<128xi32, #tpu.memory_space<vmem>>
        %dma_wait3A_262 = arith.constant 0 : i32
        %dma_wait3A_263 = arith.constant 0 : i32
        %dma_wait3A_264 = arith.constant 0 : i32
        %dma_wait3A_265 = tpu.memref_slice %arg7[%dma_wait3A_262, %dma_wait3A_263, %dma_wait3A_264] : memref<10240x2x128xbf16, #tpu.memory_space<vmem_shared>> -> memref<10240x2x128xbf16, #tpu.memory_space<vmem_shared>>
        tpu.wait_indirect_dma semaphore(%run_scoped3A_241 : memref<!tpu.dma_semaphore, #tpu.memory_space<semaphore_mem>>) src(%dma_wait3A_258 : memref<128x2x128xbf16, #tpu.memory_space<vmem>>) dst(%dma_wait3A_265 : memref<10240x2x128xbf16, #tpu.memory_space<vmem_shared>>)
        tpu.yield
      }) : () -> ()
      %add3A_225 = arith.constant 2 : i32
      %add3A_226 = arith.addi %add3A_208, %add3A_225 : i32
      %dma_start3A_227 = arith.constant 0 : i32
      %dma_start3A_228 = arith.constant 1 : i32
      %dma_start3A_229 = arith.constant 0 : i32
      %dma_start3A_230 = arith.constant 0 : i32
      %dma_start3A_231 = arith.constant 0 : i32
      %dma_start3A_232 = tpu.memref_slice %arg10[%dma_start3A_228, %dma_start3A_229, %dma_start3A_230, %dma_start3A_231] : memref<2x128x2x128xbf16, #tpu.memory_space<vmem>> -> memref<1x128x2x128xbf16, #tpu.memory_space<vmem>>
      %dma_start3A_233 = tpu.memref_squeeze %dma_start3A_232 : memref<1x128x2x128xbf16, #tpu.memory_space<vmem>> -> memref<128x2x128xbf16, #tpu.memory_space<vmem>>
      %dma_start3A_234 = arith.constant 0 : i32
      %dma_start3A_235 = tpu.memref_slice %arg8[%add3A_226, %dma_start3A_227, %dma_start3A_234] : memref<40x1x128xi32, #tpu.memory_space<vmem>> -> memref<1x1x128xi32, #tpu.memory_space<vmem>>
      %dma_start3A_236 = tpu.memref_squeeze %dma_start3A_235 : memref<1x1x128xi32, #tpu.memory_space<vmem>> -> memref<128xi32, #tpu.memory_space<vmem>>
      %dma_start3A_237 = arith.constant 0 : i32
      %dma_start3A_238 = arith.constant 0 : i32
      %dma_start3A_239 = arith.constant 0 : i32
      %dma_start3A_240 = tpu.memref_slice %arg4[%dma_start3A_237, %dma_start3A_238, %dma_start3A_239] : memref<10240x2x128xbf16, #tpu.memory_space<hbm>> -> memref<10240x2x128xbf16, #tpu.memory_space<hbm>>
      tpu.enqueue_indirect_dma source(%dma_start3A_240 : memref<10240x2x128xbf16, #tpu.memory_space<hbm>>) target(%dma_start3A_233 : memref<128x2x128xbf16, #tpu.memory_space<vmem>>) offsets(%dma_start3A_236 : memref<128xi32, #tpu.memory_space<vmem>>) semaphore(%arg12 : memref<!tpu.dma_semaphore, #tpu.memory_space<semaphore_mem>>)
    }
    %scan3A_47 = arith.constant 19 : i32
    %dma_wait3A = arith.constant 38 : i32
    %dma_wait3A_48 = arith.constant 0 : i32
    %dma_wait3A_49 = arith.constant 0 : i32
    %dma_wait3A_50 = arith.constant 0 : i32
    %dma_wait3A_51 = arith.constant 0 : i32
    %dma_wait3A_52 = arith.constant 0 : i32
    %dma_wait3A_53 = tpu.memref_slice %arg10[%dma_wait3A_49, %dma_wait3A_50, %dma_wait3A_51, %dma_wait3A_52] : memref<2x128x2x128xbf16, #tpu.memory_space<vmem>> -> memref<1x128x2x128xbf16, #tpu.memory_space<vmem>>
    %dma_wait3A_54 = tpu.memref_squeeze %dma_wait3A_53 : memref<1x128x2x128xbf16, #tpu.memory_space<vmem>> -> memref<128x2x128xbf16, #tpu.memory_space<vmem>>
    %dma_wait3A_55 = arith.constant 0 : i32
    %dma_wait3A_56 = tpu.memref_slice %arg8[%dma_wait3A, %dma_wait3A_48, %dma_wait3A_55] : memref<40x1x128xi32, #tpu.memory_space<vmem>> -> memref<1x1x128xi32, #tpu.memory_space<vmem>>
    %dma_wait3A_57 = tpu.memref_squeeze %dma_wait3A_56 : memref<1x1x128xi32, #tpu.memory_space<vmem>> -> memref<128xi32, #tpu.memory_space<vmem>>
    %dma_wait3A_58 = arith.constant 0 : i32
    %dma_wait3A_59 = arith.constant 0 : i32
    %dma_wait3A_60 = arith.constant 0 : i32
    %dma_wait3A_61 = tpu.memref_slice %arg4[%dma_wait3A_58, %dma_wait3A_59, %dma_wait3A_60] : memref<10240x2x128xbf16, #tpu.memory_space<hbm>> -> memref<10240x2x128xbf16, #tpu.memory_space<hbm>>
    tpu.wait_indirect_dma semaphore(%arg11 : memref<!tpu.dma_semaphore, #tpu.memory_space<semaphore_mem>>) src(%dma_wait3A_61 : memref<10240x2x128xbf16, #tpu.memory_space<hbm>>) dst(%dma_wait3A_54 : memref<128x2x128xbf16, #tpu.memory_space<vmem>>)
    %run_scoped3A = arith.constant 0 : i32
    %run_scoped3A_62 = arith.constant 38 : i32
    %run_scoped3A_63 = arith.constant 0 : i32
    "tpu.region"() ({
      %run_scoped3A_170 = tpu.sem_alloc : memref<!tpu.dma_semaphore, #tpu.memory_space<semaphore_mem>>
      %dma_start3A_171 = arith.constant 0 : i32
      %dma_start3A_172 = arith.constant 0 : i32
      %dma_start3A_173 = arith.constant 0 : i32
      %dma_start3A_174 = tpu.memref_slice %arg10[%run_scoped3A, %dma_start3A_171, %dma_start3A_172, %dma_start3A_173] : memref<2x128x2x128xbf16, #tpu.memory_space<vmem>> -> memref<1x128x2x128xbf16, #tpu.memory_space<vmem>>
      %dma_start3A_175 = tpu.memref_squeeze %dma_start3A_174 : memref<1x128x2x128xbf16, #tpu.memory_space<vmem>> -> memref<128x2x128xbf16, #tpu.memory_space<vmem>>
      %dma_start3A_176 = arith.constant 0 : i32
      %dma_start3A_177 = tpu.memref_slice %arg9[%run_scoped3A_62, %run_scoped3A_63, %dma_start3A_176] : memref<40x1x128xi32, #tpu.memory_space<vmem>> -> memref<1x1x128xi32, #tpu.memory_space<vmem>>
      %dma_start3A_178 = tpu.memref_squeeze %dma_start3A_177 : memref<1x1x128xi32, #tpu.memory_space<vmem>> -> memref<128xi32, #tpu.memory_space<vmem>>
      %dma_start3A_179 = arith.constant 0 : i32
      %dma_start3A_180 = arith.constant 0 : i32
      %dma_start3A_181 = arith.constant 0 : i32
      %dma_start3A_182 = tpu.memref_slice %arg7[%dma_start3A_179, %dma_start3A_180, %dma_start3A_181] : memref<10240x2x128xbf16, #tpu.memory_space<vmem_shared>> -> memref<10240x2x128xbf16, #tpu.memory_space<vmem_shared>>
      tpu.enqueue_indirect_dma source(%dma_start3A_175 : memref<128x2x128xbf16, #tpu.memory_space<vmem>>) target(%dma_start3A_182 : memref<10240x2x128xbf16, #tpu.memory_space<vmem_shared>>) offsets(%dma_start3A_178 : memref<128xi32, #tpu.memory_space<vmem>>) semaphore(%run_scoped3A_170 : memref<!tpu.dma_semaphore, #tpu.memory_space<semaphore_mem>>) {add = true}
      %dma_wait3A_183 = arith.constant 0 : i32
      %dma_wait3A_184 = arith.constant 0 : i32
      %dma_wait3A_185 = arith.constant 0 : i32
      %dma_wait3A_186 = tpu.memref_slice %arg10[%run_scoped3A, %dma_wait3A_183, %dma_wait3A_184, %dma_wait3A_185] : memref<2x128x2x128xbf16, #tpu.memory_space<vmem>> -> memref<1x128x2x128xbf16, #tpu.memory_space<vmem>>
      %dma_wait3A_187 = tpu.memref_squeeze %dma_wait3A_186 : memref<1x128x2x128xbf16, #tpu.memory_space<vmem>> -> memref<128x2x128xbf16, #tpu.memory_space<vmem>>
      %dma_wait3A_188 = arith.constant 0 : i32
      %dma_wait3A_189 = tpu.memref_slice %arg9[%run_scoped3A_62, %run_scoped3A_63, %dma_wait3A_188] : memref<40x1x128xi32, #tpu.memory_space<vmem>> -> memref<1x1x128xi32, #tpu.memory_space<vmem>>
      %dma_wait3A_190 = tpu.memref_squeeze %dma_wait3A_189 : memref<1x1x128xi32, #tpu.memory_space<vmem>> -> memref<128xi32, #tpu.memory_space<vmem>>
      %dma_wait3A_191 = arith.constant 0 : i32
      %dma_wait3A_192 = arith.constant 0 : i32
      %dma_wait3A_193 = arith.constant 0 : i32
      %dma_wait3A_194 = tpu.memref_slice %arg7[%dma_wait3A_191, %dma_wait3A_192, %dma_wait3A_193] : memref<10240x2x128xbf16, #tpu.memory_space<vmem_shared>> -> memref<10240x2x128xbf16, #tpu.memory_space<vmem_shared>>
      tpu.wait_indirect_dma semaphore(%run_scoped3A_170 : memref<!tpu.dma_semaphore, #tpu.memory_space<semaphore_mem>>) src(%dma_wait3A_187 : memref<128x2x128xbf16, #tpu.memory_space<vmem>>) dst(%dma_wait3A_194 : memref<10240x2x128xbf16, #tpu.memory_space<vmem_shared>>)
      tpu.yield
    }) : () -> ()
    %dma_wait3A_64 = arith.constant 39 : i32
    %dma_wait3A_65 = arith.constant 0 : i32
    %dma_wait3A_66 = arith.constant 1 : i32
    %dma_wait3A_67 = arith.constant 0 : i32
    %dma_wait3A_68 = arith.constant 0 : i32
    %dma_wait3A_69 = arith.constant 0 : i32
    %dma_wait3A_70 = tpu.memref_slice %arg10[%dma_wait3A_66, %dma_wait3A_67, %dma_wait3A_68, %dma_wait3A_69] : memref<2x128x2x128xbf16, #tpu.memory_space<vmem>> -> memref<1x128x2x128xbf16, #tpu.memory_space<vmem>>
    %dma_wait3A_71 = tpu.memref_squeeze %dma_wait3A_70 : memref<1x128x2x128xbf16, #tpu.memory_space<vmem>> -> memref<128x2x128xbf16, #tpu.memory_space<vmem>>
    %dma_wait3A_72 = arith.constant 0 : i32
    %dma_wait3A_73 = tpu.memref_slice %arg8[%dma_wait3A_64, %dma_wait3A_65, %dma_wait3A_72] : memref<40x1x128xi32, #tpu.memory_space<vmem>> -> memref<1x1x128xi32, #tpu.memory_space<vmem>>
    %dma_wait3A_74 = tpu.memref_squeeze %dma_wait3A_73 : memref<1x1x128xi32, #tpu.memory_space<vmem>> -> memref<128xi32, #tpu.memory_space<vmem>>
    %dma_wait3A_75 = arith.constant 0 : i32
    %dma_wait3A_76 = arith.constant 0 : i32
    %dma_wait3A_77 = arith.constant 0 : i32
    %dma_wait3A_78 = tpu.memref_slice %arg4[%dma_wait3A_75, %dma_wait3A_76, %dma_wait3A_77] : memref<10240x2x128xbf16, #tpu.memory_space<hbm>> -> memref<10240x2x128xbf16, #tpu.memory_space<hbm>>
    tpu.wait_indirect_dma semaphore(%arg12 : memref<!tpu.dma_semaphore, #tpu.memory_space<semaphore_mem>>) src(%dma_wait3A_78 : memref<10240x2x128xbf16, #tpu.memory_space<hbm>>) dst(%dma_wait3A_71 : memref<128x2x128xbf16, #tpu.memory_space<vmem>>)
    %run_scoped3A_79 = arith.constant 1 : i32
    %run_scoped3A_80 = arith.constant 39 : i32
    %run_scoped3A_81 = arith.constant 0 : i32
    "tpu.region"() ({
      %run_scoped3A_170 = tpu.sem_alloc : memref<!tpu.dma_semaphore, #tpu.memory_space<semaphore_mem>>
      %dma_start3A_171 = arith.constant 0 : i32
      %dma_start3A_172 = arith.constant 0 : i32
      %dma_start3A_173 = arith.constant 0 : i32
      %dma_start3A_174 = tpu.memref_slice %arg10[%run_scoped3A_79, %dma_start3A_171, %dma_start3A_172, %dma_start3A_173] : memref<2x128x2x128xbf16, #tpu.memory_space<vmem>> -> memref<1x128x2x128xbf16, #tpu.memory_space<vmem>>
      %dma_start3A_175 = tpu.memref_squeeze %dma_start3A_174 : memref<1x128x2x128xbf16, #tpu.memory_space<vmem>> -> memref<128x2x128xbf16, #tpu.memory_space<vmem>>
      %dma_start3A_176 = arith.constant 0 : i32
      %dma_start3A_177 = tpu.memref_slice %arg9[%run_scoped3A_80, %run_scoped3A_81, %dma_start3A_176] : memref<40x1x128xi32, #tpu.memory_space<vmem>> -> memref<1x1x128xi32, #tpu.memory_space<vmem>>
      %dma_start3A_178 = tpu.memref_squeeze %dma_start3A_177 : memref<1x1x128xi32, #tpu.memory_space<vmem>> -> memref<128xi32, #tpu.memory_space<vmem>>
      %dma_start3A_179 = arith.constant 0 : i32
      %dma_start3A_180 = arith.constant 0 : i32
      %dma_start3A_181 = arith.constant 0 : i32
      %dma_start3A_182 = tpu.memref_slice %arg7[%dma_start3A_179, %dma_start3A_180, %dma_start3A_181] : memref<10240x2x128xbf16, #tpu.memory_space<vmem_shared>> -> memref<10240x2x128xbf16, #tpu.memory_space<vmem_shared>>
      tpu.enqueue_indirect_dma source(%dma_start3A_175 : memref<128x2x128xbf16, #tpu.memory_space<vmem>>) target(%dma_start3A_182 : memref<10240x2x128xbf16, #tpu.memory_space<vmem_shared>>) offsets(%dma_start3A_178 : memref<128xi32, #tpu.memory_space<vmem>>) semaphore(%run_scoped3A_170 : memref<!tpu.dma_semaphore, #tpu.memory_space<semaphore_mem>>) {add = true}
      %dma_wait3A_183 = arith.constant 0 : i32
      %dma_wait3A_184 = arith.constant 0 : i32
      %dma_wait3A_185 = arith.constant 0 : i32
      %dma_wait3A_186 = tpu.memref_slice %arg10[%run_scoped3A_79, %dma_wait3A_183, %dma_wait3A_184, %dma_wait3A_185] : memref<2x128x2x128xbf16, #tpu.memory_space<vmem>> -> memref<1x128x2x128xbf16, #tpu.memory_space<vmem>>
      %dma_wait3A_187 = tpu.memref_squeeze %dma_wait3A_186 : memref<1x128x2x128xbf16, #tpu.memory_space<vmem>> -> memref<128x2x128xbf16, #tpu.memory_space<vmem>>
      %dma_wait3A_188 = arith.constant 0 : i32
      %dma_wait3A_189 = tpu.memref_slice %arg9[%run_scoped3A_80, %run_scoped3A_81, %dma_wait3A_188] : memref<40x1x128xi32, #tpu.memory_space<vmem>> -> memref<1x1x128xi32, #tpu.memory_space<vmem>>
      %dma_wait3A_190 = tpu.memref_squeeze %dma_wait3A_189 : memref<1x1x128xi32, #tpu.memory_space<vmem>> -> memref<128xi32, #tpu.memory_space<vmem>>
      %dma_wait3A_191 = arith.constant 0 : i32
      %dma_wait3A_192 = arith.constant 0 : i32
      %dma_wait3A_193 = arith.constant 0 : i32
      %dma_wait3A_194 = tpu.memref_slice %arg7[%dma_wait3A_191, %dma_wait3A_192, %dma_wait3A_193] : memref<10240x2x128xbf16, #tpu.memory_space<vmem_shared>> -> memref<10240x2x128xbf16, #tpu.memory_space<vmem_shared>>
      tpu.wait_indirect_dma semaphore(%run_scoped3A_170 : memref<!tpu.dma_semaphore, #tpu.memory_space<semaphore_mem>>) src(%dma_wait3A_187 : memref<128x2x128xbf16, #tpu.memory_space<vmem>>) dst(%dma_wait3A_194 : memref<10240x2x128xbf16, #tpu.memory_space<vmem_shared>>)
      tpu.yield
    }) : () -> ()
    %mul3A_82 = arith.constant 80 : i32
    %mul3A_83 = arith.muli %add3A, %mul3A_82 : i32
    %add3A_84 = arith.constant 40 : i32
    %add3A_85 = arith.addi %mul3A_83, %add3A_84 : i32
    "tpu.region"() ({
      %run_scoped3A_170 = tpu.sem_alloc : memref<!tpu.dma_semaphore, #tpu.memory_space<semaphore_mem>>
      %dma_start3A_171 = arith.constant 0 : i32
      %dma_start3A_172 = arith.constant 0 : i32
      %dma_start3A_173 = tpu.memref_slice %arg2[%add3A_85, %dma_start3A_171, %dma_start3A_172] : memref<2560x1x128xi32, #tpu.memory_space<hbm>> -> memref<40x1x128xi32, #tpu.memory_space<hbm>>
      %dma_start3A_174 = arith.constant 0 : i32
      %dma_start3A_175 = arith.constant 0 : i32
      %dma_start3A_176 = tpu.memref_slice %arg2[%add3A_85, %dma_start3A_174, %dma_start3A_175] : memref<2560x1x128xi32, #tpu.memory_space<hbm>> -> memref<40x1x128xi32, #tpu.memory_space<hbm>>
      tpu.enqueue_dma source(%dma_start3A_176 : memref<40x1x128xi32, #tpu.memory_space<hbm>>) target(%arg8 : memref<40x1x128xi32, #tpu.memory_space<vmem>>) target_semaphore(%run_scoped3A_170 : memref<!tpu.dma_semaphore, #tpu.memory_space<semaphore_mem>>)
      %dma_wait3A_177 = arith.constant 0 : i32
      %dma_wait3A_178 = arith.constant 0 : i32
      %dma_wait3A_179 = tpu.memref_slice %arg2[%add3A_85, %dma_wait3A_177, %dma_wait3A_178] : memref<2560x1x128xi32, #tpu.memory_space<hbm>> -> memref<40x1x128xi32, #tpu.memory_space<hbm>>
      %dma_wait3A_180 = arith.constant 0 : i32
      %dma_wait3A_181 = arith.constant 0 : i32
      %dma_wait3A_182 = tpu.memref_slice %arg2[%add3A_85, %dma_wait3A_180, %dma_wait3A_181] : memref<2560x1x128xi32, #tpu.memory_space<hbm>> -> memref<40x1x128xi32, #tpu.memory_space<hbm>>
      tpu.wait_dma2 semaphore(%run_scoped3A_170 : memref<!tpu.dma_semaphore, #tpu.memory_space<semaphore_mem>>) src(%dma_wait3A_182 : memref<40x1x128xi32, #tpu.memory_space<hbm>>) dst(%arg8 : memref<40x1x128xi32, #tpu.memory_space<vmem>>)
      tpu.yield
    }) : () -> ()
    %mul3A_86 = arith.constant 80 : i32
    %mul3A_87 = arith.muli %add3A, %mul3A_86 : i32
    %add3A_88 = arith.constant 40 : i32
    %add3A_89 = arith.addi %mul3A_87, %add3A_88 : i32
    "tpu.region"() ({
      %run_scoped3A_170 = tpu.sem_alloc : memref<!tpu.dma_semaphore, #tpu.memory_space<semaphore_mem>>
      %dma_start3A_171 = arith.constant 0 : i32
      %dma_start3A_172 = arith.constant 0 : i32
      %dma_start3A_173 = tpu.memref_slice %arg3[%add3A_89, %dma_start3A_171, %dma_start3A_172] : memref<2560x1x128xi32, #tpu.memory_space<hbm>> -> memref<40x1x128xi32, #tpu.memory_space<hbm>>
      %dma_start3A_174 = arith.constant 0 : i32
      %dma_start3A_175 = arith.constant 0 : i32
      %dma_start3A_176 = tpu.memref_slice %arg3[%add3A_89, %dma_start3A_174, %dma_start3A_175] : memref<2560x1x128xi32, #tpu.memory_space<hbm>> -> memref<40x1x128xi32, #tpu.memory_space<hbm>>
      tpu.enqueue_dma source(%dma_start3A_176 : memref<40x1x128xi32, #tpu.memory_space<hbm>>) target(%arg9 : memref<40x1x128xi32, #tpu.memory_space<vmem>>) target_semaphore(%run_scoped3A_170 : memref<!tpu.dma_semaphore, #tpu.memory_space<semaphore_mem>>)
      %dma_wait3A_177 = arith.constant 0 : i32
      %dma_wait3A_178 = arith.constant 0 : i32
      %dma_wait3A_179 = tpu.memref_slice %arg3[%add3A_89, %dma_wait3A_177, %dma_wait3A_178] : memref<2560x1x128xi32, #tpu.memory_space<hbm>> -> memref<40x1x128xi32, #tpu.memory_space<hbm>>
      %dma_wait3A_180 = arith.constant 0 : i32
      %dma_wait3A_181 = arith.constant 0 : i32
      %dma_wait3A_182 = tpu.memref_slice %arg3[%add3A_89, %dma_wait3A_180, %dma_wait3A_181] : memref<2560x1x128xi32, #tpu.memory_space<hbm>> -> memref<40x1x128xi32, #tpu.memory_space<hbm>>
      tpu.wait_dma2 semaphore(%run_scoped3A_170 : memref<!tpu.dma_semaphore, #tpu.memory_space<semaphore_mem>>) src(%dma_wait3A_182 : memref<40x1x128xi32, #tpu.memory_space<hbm>>) dst(%arg9 : memref<40x1x128xi32, #tpu.memory_space<vmem>>)
      tpu.yield
    }) : () -> ()
    %dma_start3A_90 = arith.constant 0 : i32
    %dma_start3A_91 = arith.constant 0 : i32
    %dma_start3A_92 = arith.constant 0 : i32
    %dma_start3A_93 = arith.constant 0 : i32
    %dma_start3A_94 = arith.constant 0 : i32
    %dma_start3A_95 = arith.constant 0 : i32
    %dma_start3A_96 = tpu.memref_slice %arg10[%dma_start3A_92, %dma_start3A_93, %dma_start3A_94, %dma_start3A_95] : memref<2x128x2x128xbf16, #tpu.memory_space<vmem>> -> memref<1x128x2x128xbf16, #tpu.memory_space<vmem>>
    %dma_start3A_97 = tpu.memref_squeeze %dma_start3A_96 : memref<1x128x2x128xbf16, #tpu.memory_space<vmem>> -> memref<128x2x128xbf16, #tpu.memory_space<vmem>>
    %dma_start3A_98 = arith.constant 0 : i32
    %dma_start3A_99 = tpu.memref_slice %arg8[%dma_start3A_90, %dma_start3A_91, %dma_start3A_98] : memref<40x1x128xi32, #tpu.memory_space<vmem>> -> memref<1x1x128xi32, #tpu.memory_space<vmem>>
    %dma_start3A_100 = tpu.memref_squeeze %dma_start3A_99 : memref<1x1x128xi32, #tpu.memory_space<vmem>> -> memref<128xi32, #tpu.memory_space<vmem>>
    %dma_start3A_101 = arith.constant 0 : i32
    %dma_start3A_102 = arith.constant 0 : i32
    %dma_start3A_103 = arith.constant 0 : i32
    %dma_start3A_104 = tpu.memref_slice %arg4[%dma_start3A_101, %dma_start3A_102, %dma_start3A_103] : memref<10240x2x128xbf16, #tpu.memory_space<hbm>> -> memref<10240x2x128xbf16, #tpu.memory_space<hbm>>
    tpu.enqueue_indirect_dma source(%dma_start3A_104 : memref<10240x2x128xbf16, #tpu.memory_space<hbm>>) target(%dma_start3A_97 : memref<128x2x128xbf16, #tpu.memory_space<vmem>>) offsets(%dma_start3A_100 : memref<128xi32, #tpu.memory_space<vmem>>) semaphore(%arg11 : memref<!tpu.dma_semaphore, #tpu.memory_space<semaphore_mem>>)
    %dma_start3A_105 = arith.constant 1 : i32
    %dma_start3A_106 = arith.constant 0 : i32
    %dma_start3A_107 = arith.constant 1 : i32
    %dma_start3A_108 = arith.constant 0 : i32
    %dma_start3A_109 = arith.constant 0 : i32
    %dma_start3A_110 = arith.constant 0 : i32
    %dma_start3A_111 = tpu.memref_slice %arg10[%dma_start3A_107, %dma_start3A_108, %dma_start3A_109, %dma_start3A_110] : memref<2x128x2x128xbf16, #tpu.memory_space<vmem>> -> memref<1x128x2x128xbf16, #tpu.memory_space<vmem>>
    %dma_start3A_112 = tpu.memref_squeeze %dma_start3A_111 : memref<1x128x2x128xbf16, #tpu.memory_space<vmem>> -> memref<128x2x128xbf16, #tpu.memory_space<vmem>>
    %dma_start3A_113 = arith.constant 0 : i32
    %dma_start3A_114 = tpu.memref_slice %arg8[%dma_start3A_105, %dma_start3A_106, %dma_start3A_113] : memref<40x1x128xi32, #tpu.memory_space<vmem>> -> memref<1x1x128xi32, #tpu.memory_space<vmem>>
    %dma_start3A_115 = tpu.memref_squeeze %dma_start3A_114 : memref<1x1x128xi32, #tpu.memory_space<vmem>> -> memref<128xi32, #tpu.memory_space<vmem>>
    %dma_start3A_116 = arith.constant 0 : i32
    %dma_start3A_117 = arith.constant 0 : i32
    %dma_start3A_118 = arith.constant 0 : i32
    %dma_start3A_119 = tpu.memref_slice %arg4[%dma_start3A_116, %dma_start3A_117, %dma_start3A_118] : memref<10240x2x128xbf16, #tpu.memory_space<hbm>> -> memref<10240x2x128xbf16, #tpu.memory_space<hbm>>
    tpu.enqueue_indirect_dma source(%dma_start3A_119 : memref<10240x2x128xbf16, #tpu.memory_space<hbm>>) target(%dma_start3A_112 : memref<128x2x128xbf16, #tpu.memory_space<vmem>>) offsets(%dma_start3A_115 : memref<128xi32, #tpu.memory_space<vmem>>) semaphore(%arg12 : memref<!tpu.dma_semaphore, #tpu.memory_space<semaphore_mem>>)
    %scan3A_120 = arith.constant 0 : i32
    %scan3A_121 = arith.constant 0 : i32
    %scan3A_122 = arith.constant 19 : i32
    %scan3A_123 = arith.addi %scan3A_121, %scan3A_122 : i32
    %scan3A_124 = arith.constant 1 : i32
    scf.for %scan3A_170 = %scan3A_121 to %scan3A_123 step %scan3A_124  : i32 {
      %mul3A_171 = arith.constant 2 : i32
      %mul3A_172 = arith.muli %mul3A_171, %scan3A_170 : i32
      %dma_wait3A_173 = arith.constant 0 : i32
      %dma_wait3A_174 = arith.constant 0 : i32
      %dma_wait3A_175 = arith.constant 0 : i32
      %dma_wait3A_176 = arith.constant 0 : i32
      %dma_wait3A_177 = arith.constant 0 : i32
      %dma_wait3A_178 = tpu.memref_slice %arg10[%dma_wait3A_174, %dma_wait3A_175, %dma_wait3A_176, %dma_wait3A_177] : memref<2x128x2x128xbf16, #tpu.memory_space<vmem>> -> memref<1x128x2x128xbf16, #tpu.memory_space<vmem>>
      %dma_wait3A_179 = tpu.memref_squeeze %dma_wait3A_178 : memref<1x128x2x128xbf16, #tpu.memory_space<vmem>> -> memref<128x2x128xbf16, #tpu.memory_space<vmem>>
      %dma_wait3A_180 = arith.constant 0 : i32
      %dma_wait3A_181 = tpu.memref_slice %arg8[%mul3A_172, %dma_wait3A_173, %dma_wait3A_180] : memref<40x1x128xi32, #tpu.memory_space<vmem>> -> memref<1x1x128xi32, #tpu.memory_space<vmem>>
      %dma_wait3A_182 = tpu.memref_squeeze %dma_wait3A_181 : memref<1x1x128xi32, #tpu.memory_space<vmem>> -> memref<128xi32, #tpu.memory_space<vmem>>
      %dma_wait3A_183 = arith.constant 0 : i32
      %dma_wait3A_184 = arith.constant 0 : i32
      %dma_wait3A_185 = arith.constant 0 : i32
      %dma_wait3A_186 = tpu.memref_slice %arg4[%dma_wait3A_183, %dma_wait3A_184, %dma_wait3A_185] : memref<10240x2x128xbf16, #tpu.memory_space<hbm>> -> memref<10240x2x128xbf16, #tpu.memory_space<hbm>>
      tpu.wait_indirect_dma semaphore(%arg11 : memref<!tpu.dma_semaphore, #tpu.memory_space<semaphore_mem>>) src(%dma_wait3A_186 : memref<10240x2x128xbf16, #tpu.memory_space<hbm>>) dst(%dma_wait3A_179 : memref<128x2x128xbf16, #tpu.memory_space<vmem>>)
      %run_scoped3A_187 = arith.constant 0 : i32
      %run_scoped3A_188 = arith.constant 0 : i32
      "tpu.region"() ({
        %run_scoped3A_241 = tpu.sem_alloc : memref<!tpu.dma_semaphore, #tpu.memory_space<semaphore_mem>>
        %dma_start3A_242 = arith.constant 0 : i32
        %dma_start3A_243 = arith.constant 0 : i32
        %dma_start3A_244 = arith.constant 0 : i32
        %dma_start3A_245 = tpu.memref_slice %arg10[%run_scoped3A_187, %dma_start3A_242, %dma_start3A_243, %dma_start3A_244] : memref<2x128x2x128xbf16, #tpu.memory_space<vmem>> -> memref<1x128x2x128xbf16, #tpu.memory_space<vmem>>
        %dma_start3A_246 = tpu.memref_squeeze %dma_start3A_245 : memref<1x128x2x128xbf16, #tpu.memory_space<vmem>> -> memref<128x2x128xbf16, #tpu.memory_space<vmem>>
        %dma_start3A_247 = arith.constant 0 : i32
        %dma_start3A_248 = tpu.memref_slice %arg9[%mul3A_172, %run_scoped3A_188, %dma_start3A_247] : memref<40x1x128xi32, #tpu.memory_space<vmem>> -> memref<1x1x128xi32, #tpu.memory_space<vmem>>
        %dma_start3A_249 = tpu.memref_squeeze %dma_start3A_248 : memref<1x1x128xi32, #tpu.memory_space<vmem>> -> memref<128xi32, #tpu.memory_space<vmem>>
        %dma_start3A_250 = arith.constant 0 : i32
        %dma_start3A_251 = arith.constant 0 : i32
        %dma_start3A_252 = arith.constant 0 : i32
        %dma_start3A_253 = tpu.memref_slice %arg7[%dma_start3A_250, %dma_start3A_251, %dma_start3A_252] : memref<10240x2x128xbf16, #tpu.memory_space<vmem_shared>> -> memref<10240x2x128xbf16, #tpu.memory_space<vmem_shared>>
        tpu.enqueue_indirect_dma source(%dma_start3A_246 : memref<128x2x128xbf16, #tpu.memory_space<vmem>>) target(%dma_start3A_253 : memref<10240x2x128xbf16, #tpu.memory_space<vmem_shared>>) offsets(%dma_start3A_249 : memref<128xi32, #tpu.memory_space<vmem>>) semaphore(%run_scoped3A_241 : memref<!tpu.dma_semaphore, #tpu.memory_space<semaphore_mem>>) {add = true}
        %dma_wait3A_254 = arith.constant 0 : i32
        %dma_wait3A_255 = arith.constant 0 : i32
        %dma_wait3A_256 = arith.constant 0 : i32
        %dma_wait3A_257 = tpu.memref_slice %arg10[%run_scoped3A_187, %dma_wait3A_254, %dma_wait3A_255, %dma_wait3A_256] : memref<2x128x2x128xbf16, #tpu.memory_space<vmem>> -> memref<1x128x2x128xbf16, #tpu.memory_space<vmem>>
        %dma_wait3A_258 = tpu.memref_squeeze %dma_wait3A_257 : memref<1x128x2x128xbf16, #tpu.memory_space<vmem>> -> memref<128x2x128xbf16, #tpu.memory_space<vmem>>
        %dma_wait3A_259 = arith.constant 0 : i32
        %dma_wait3A_260 = tpu.memref_slice %arg9[%mul3A_172, %run_scoped3A_188, %dma_wait3A_259] : memref<40x1x128xi32, #tpu.memory_space<vmem>> -> memref<1x1x128xi32, #tpu.memory_space<vmem>>
        %dma_wait3A_261 = tpu.memref_squeeze %dma_wait3A_260 : memref<1x1x128xi32, #tpu.memory_space<vmem>> -> memref<128xi32, #tpu.memory_space<vmem>>
        %dma_wait3A_262 = arith.constant 0 : i32
        %dma_wait3A_263 = arith.constant 0 : i32
        %dma_wait3A_264 = arith.constant 0 : i32
        %dma_wait3A_265 = tpu.memref_slice %arg7[%dma_wait3A_262, %dma_wait3A_263, %dma_wait3A_264] : memref<10240x2x128xbf16, #tpu.memory_space<vmem_shared>> -> memref<10240x2x128xbf16, #tpu.memory_space<vmem_shared>>
        tpu.wait_indirect_dma semaphore(%run_scoped3A_241 : memref<!tpu.dma_semaphore, #tpu.memory_space<semaphore_mem>>) src(%dma_wait3A_258 : memref<128x2x128xbf16, #tpu.memory_space<vmem>>) dst(%dma_wait3A_265 : memref<10240x2x128xbf16, #tpu.memory_space<vmem_shared>>)
        tpu.yield
      }) : () -> ()
      %add3A_189 = arith.constant 2 : i32
      %add3A_190 = arith.addi %mul3A_172, %add3A_189 : i32
      %dma_start3A_191 = arith.constant 0 : i32
      %dma_start3A_192 = arith.constant 0 : i32
      %dma_start3A_193 = arith.constant 0 : i32
      %dma_start3A_194 = arith.constant 0 : i32
      %dma_start3A_195 = arith.constant 0 : i32
      %dma_start3A_196 = tpu.memref_slice %arg10[%dma_start3A_192, %dma_start3A_193, %dma_start3A_194, %dma_start3A_195] : memref<2x128x2x128xbf16, #tpu.memory_space<vmem>> -> memref<1x128x2x128xbf16, #tpu.memory_space<vmem>>
      %dma_start3A_197 = tpu.memref_squeeze %dma_start3A_196 : memref<1x128x2x128xbf16, #tpu.memory_space<vmem>> -> memref<128x2x128xbf16, #tpu.memory_space<vmem>>
      %dma_start3A_198 = arith.constant 0 : i32
      %dma_start3A_199 = tpu.memref_slice %arg8[%add3A_190, %dma_start3A_191, %dma_start3A_198] : memref<40x1x128xi32, #tpu.memory_space<vmem>> -> memref<1x1x128xi32, #tpu.memory_space<vmem>>
      %dma_start3A_200 = tpu.memref_squeeze %dma_start3A_199 : memref<1x1x128xi32, #tpu.memory_space<vmem>> -> memref<128xi32, #tpu.memory_space<vmem>>
      %dma_start3A_201 = arith.constant 0 : i32
      %dma_start3A_202 = arith.constant 0 : i32
      %dma_start3A_203 = arith.constant 0 : i32
      %dma_start3A_204 = tpu.memref_slice %arg4[%dma_start3A_201, %dma_start3A_202, %dma_start3A_203] : memref<10240x2x128xbf16, #tpu.memory_space<hbm>> -> memref<10240x2x128xbf16, #tpu.memory_space<hbm>>
      tpu.enqueue_indirect_dma source(%dma_start3A_204 : memref<10240x2x128xbf16, #tpu.memory_space<hbm>>) target(%dma_start3A_197 : memref<128x2x128xbf16, #tpu.memory_space<vmem>>) offsets(%dma_start3A_200 : memref<128xi32, #tpu.memory_space<vmem>>) semaphore(%arg11 : memref<!tpu.dma_semaphore, #tpu.memory_space<semaphore_mem>>)
      %mul3A_205 = arith.constant 2 : i32
      %mul3A_206 = arith.muli %mul3A_205, %scan3A_170 : i32
      %add3A_207 = arith.constant 1 : i32
      %add3A_208 = arith.addi %mul3A_206, %add3A_207 : i32
      %dma_wait3A_209 = arith.constant 0 : i32
      %dma_wait3A_210 = arith.constant 1 : i32
      %dma_wait3A_211 = arith.constant 0 : i32
      %dma_wait3A_212 = arith.constant 0 : i32
      %dma_wait3A_213 = arith.constant 0 : i32
      %dma_wait3A_214 = tpu.memref_slice %arg10[%dma_wait3A_210, %dma_wait3A_211, %dma_wait3A_212, %dma_wait3A_213] : memref<2x128x2x128xbf16, #tpu.memory_space<vmem>> -> memref<1x128x2x128xbf16, #tpu.memory_space<vmem>>
      %dma_wait3A_215 = tpu.memref_squeeze %dma_wait3A_214 : memref<1x128x2x128xbf16, #tpu.memory_space<vmem>> -> memref<128x2x128xbf16, #tpu.memory_space<vmem>>
      %dma_wait3A_216 = arith.constant 0 : i32
      %dma_wait3A_217 = tpu.memref_slice %arg8[%add3A_208, %dma_wait3A_209, %dma_wait3A_216] : memref<40x1x128xi32, #tpu.memory_space<vmem>> -> memref<1x1x128xi32, #tpu.memory_space<vmem>>
      %dma_wait3A_218 = tpu.memref_squeeze %dma_wait3A_217 : memref<1x1x128xi32, #tpu.memory_space<vmem>> -> memref<128xi32, #tpu.memory_space<vmem>>
      %dma_wait3A_219 = arith.constant 0 : i32
      %dma_wait3A_220 = arith.constant 0 : i32
      %dma_wait3A_221 = arith.constant 0 : i32
      %dma_wait3A_222 = tpu.memref_slice %arg4[%dma_wait3A_219, %dma_wait3A_220, %dma_wait3A_221] : memref<10240x2x128xbf16, #tpu.memory_space<hbm>> -> memref<10240x2x128xbf16, #tpu.memory_space<hbm>>
      tpu.wait_indirect_dma semaphore(%arg12 : memref<!tpu.dma_semaphore, #tpu.memory_space<semaphore_mem>>) src(%dma_wait3A_222 : memref<10240x2x128xbf16, #tpu.memory_space<hbm>>) dst(%dma_wait3A_215 : memref<128x2x128xbf16, #tpu.memory_space<vmem>>)
      %run_scoped3A_223 = arith.constant 1 : i32
      %run_scoped3A_224 = arith.constant 0 : i32
      "tpu.region"() ({
        %run_scoped3A_241 = tpu.sem_alloc : memref<!tpu.dma_semaphore, #tpu.memory_space<semaphore_mem>>
        %dma_start3A_242 = arith.constant 0 : i32
        %dma_start3A_243 = arith.constant 0 : i32
        %dma_start3A_244 = arith.constant 0 : i32
        %dma_start3A_245 = tpu.memref_slice %arg10[%run_scoped3A_223, %dma_start3A_242, %dma_start3A_243, %dma_start3A_244] : memref<2x128x2x128xbf16, #tpu.memory_space<vmem>> -> memref<1x128x2x128xbf16, #tpu.memory_space<vmem>>
        %dma_start3A_246 = tpu.memref_squeeze %dma_start3A_245 : memref<1x128x2x128xbf16, #tpu.memory_space<vmem>> -> memref<128x2x128xbf16, #tpu.memory_space<vmem>>
        %dma_start3A_247 = arith.constant 0 : i32
        %dma_start3A_248 = tpu.memref_slice %arg9[%add3A_208, %run_scoped3A_224, %dma_start3A_247] : memref<40x1x128xi32, #tpu.memory_space<vmem>> -> memref<1x1x128xi32, #tpu.memory_space<vmem>>
        %dma_start3A_249 = tpu.memref_squeeze %dma_start3A_248 : memref<1x1x128xi32, #tpu.memory_space<vmem>> -> memref<128xi32, #tpu.memory_space<vmem>>
        %dma_start3A_250 = arith.constant 0 : i32
        %dma_start3A_251 = arith.constant 0 : i32
        %dma_start3A_252 = arith.constant 0 : i32
        %dma_start3A_253 = tpu.memref_slice %arg7[%dma_start3A_250, %dma_start3A_251, %dma_start3A_252] : memref<10240x2x128xbf16, #tpu.memory_space<vmem_shared>> -> memref<10240x2x128xbf16, #tpu.memory_space<vmem_shared>>
        tpu.enqueue_indirect_dma source(%dma_start3A_246 : memref<128x2x128xbf16, #tpu.memory_space<vmem>>) target(%dma_start3A_253 : memref<10240x2x128xbf16, #tpu.memory_space<vmem_shared>>) offsets(%dma_start3A_249 : memref<128xi32, #tpu.memory_space<vmem>>) semaphore(%run_scoped3A_241 : memref<!tpu.dma_semaphore, #tpu.memory_space<semaphore_mem>>) {add = true}
        %dma_wait3A_254 = arith.constant 0 : i32
        %dma_wait3A_255 = arith.constant 0 : i32
        %dma_wait3A_256 = arith.constant 0 : i32
        %dma_wait3A_257 = tpu.memref_slice %arg10[%run_scoped3A_223, %dma_wait3A_254, %dma_wait3A_255, %dma_wait3A_256] : memref<2x128x2x128xbf16, #tpu.memory_space<vmem>> -> memref<1x128x2x128xbf16, #tpu.memory_space<vmem>>
        %dma_wait3A_258 = tpu.memref_squeeze %dma_wait3A_257 : memref<1x128x2x128xbf16, #tpu.memory_space<vmem>> -> memref<128x2x128xbf16, #tpu.memory_space<vmem>>
        %dma_wait3A_259 = arith.constant 0 : i32
        %dma_wait3A_260 = tpu.memref_slice %arg9[%add3A_208, %run_scoped3A_224, %dma_wait3A_259] : memref<40x1x128xi32, #tpu.memory_space<vmem>> -> memref<1x1x128xi32, #tpu.memory_space<vmem>>
        %dma_wait3A_261 = tpu.memref_squeeze %dma_wait3A_260 : memref<1x1x128xi32, #tpu.memory_space<vmem>> -> memref<128xi32, #tpu.memory_space<vmem>>
        %dma_wait3A_262 = arith.constant 0 : i32
        %dma_wait3A_263 = arith.constant 0 : i32
        %dma_wait3A_264 = arith.constant 0 : i32
        %dma_wait3A_265 = tpu.memref_slice %arg7[%dma_wait3A_262, %dma_wait3A_263, %dma_wait3A_264] : memref<10240x2x128xbf16, #tpu.memory_space<vmem_shared>> -> memref<10240x2x128xbf16, #tpu.memory_space<vmem_shared>>
        tpu.wait_indirect_dma semaphore(%run_scoped3A_241 : memref<!tpu.dma_semaphore, #tpu.memory_space<semaphore_mem>>) src(%dma_wait3A_258 : memref<128x2x128xbf16, #tpu.memory_space<vmem>>) dst(%dma_wait3A_265 : memref<10240x2x128xbf16, #tpu.memory_space<vmem_shared>>)
        tpu.yield
      }) : () -> ()
      %add3A_225 = arith.constant 2 : i32
      %add3A_226 = arith.addi %add3A_208, %add3A_225 : i32
      %dma_start3A_227 = arith.constant 0 : i32
      %dma_start3A_228 = arith.constant 1 : i32
      %dma_start3A_229 = arith.constant 0 : i32
      %dma_start3A_230 = arith.constant 0 : i32
      %dma_start3A_231 = arith.constant 0 : i32
      %dma_start3A_232 = tpu.memref_slice %arg10[%dma_start3A_228, %dma_start3A_229, %dma_start3A_230, %dma_start3A_231] : memref<2x128x2x128xbf16, #tpu.memory_space<vmem>> -> memref<1x128x2x128xbf16, #tpu.memory_space<vmem>>
      %dma_start3A_233 = tpu.memref_squeeze %dma_start3A_232 : memref<1x128x2x128xbf16, #tpu.memory_space<vmem>> -> memref<128x2x128xbf16, #tpu.memory_space<vmem>>
      %dma_start3A_234 = arith.constant 0 : i32
      %dma_start3A_235 = tpu.memref_slice %arg8[%add3A_226, %dma_start3A_227, %dma_start3A_234] : memref<40x1x128xi32, #tpu.memory_space<vmem>> -> memref<1x1x128xi32, #tpu.memory_space<vmem>>
      %dma_start3A_236 = tpu.memref_squeeze %dma_start3A_235 : memref<1x1x128xi32, #tpu.memory_space<vmem>> -> memref<128xi32, #tpu.memory_space<vmem>>
      %dma_start3A_237 = arith.constant 0 : i32
      %dma_start3A_238 = arith.constant 0 : i32
      %dma_start3A_239 = arith.constant 0 : i32
      %dma_start3A_240 = tpu.memref_slice %arg4[%dma_start3A_237, %dma_start3A_238, %dma_start3A_239] : memref<10240x2x128xbf16, #tpu.memory_space<hbm>> -> memref<10240x2x128xbf16, #tpu.memory_space<hbm>>
      tpu.enqueue_indirect_dma source(%dma_start3A_240 : memref<10240x2x128xbf16, #tpu.memory_space<hbm>>) target(%dma_start3A_233 : memref<128x2x128xbf16, #tpu.memory_space<vmem>>) offsets(%dma_start3A_236 : memref<128xi32, #tpu.memory_space<vmem>>) semaphore(%arg12 : memref<!tpu.dma_semaphore, #tpu.memory_space<semaphore_mem>>)
    }
    %scan3A_125 = arith.constant 19 : i32
    %dma_wait3A_126 = arith.constant 38 : i32
    %dma_wait3A_127 = arith.constant 0 : i32
    %dma_wait3A_128 = arith.constant 0 : i32
    %dma_wait3A_129 = arith.constant 0 : i32
    %dma_wait3A_130 = arith.constant 0 : i32
    %dma_wait3A_131 = arith.constant 0 : i32
    %dma_wait3A_132 = tpu.memref_slice %arg10[%dma_wait3A_128, %dma_wait3A_129, %dma_wait3A_130, %dma_wait3A_131] : memref<2x128x2x128xbf16, #tpu.memory_space<vmem>> -> memref<1x128x2x128xbf16, #tpu.memory_space<vmem>>
    %dma_wait3A_133 = tpu.memref_squeeze %dma_wait3A_132 : memref<1x128x2x128xbf16, #tpu.memory_space<vmem>> -> memref<128x2x128xbf16, #tpu.memory_space<vmem>>
    %dma_wait3A_134 = arith.constant 0 : i32
    %dma_wait3A_135 = tpu.memref_slice %arg8[%dma_wait3A_126, %dma_wait3A_127, %dma_wait3A_134] : memref<40x1x128xi32, #tpu.memory_space<vmem>> -> memref<1x1x128xi32, #tpu.memory_space<vmem>>
    %dma_wait3A_136 = tpu.memref_squeeze %dma_wait3A_135 : memref<1x1x128xi32, #tpu.memory_space<vmem>> -> memref<128xi32, #tpu.memory_space<vmem>>
    %dma_wait3A_137 = arith.constant 0 : i32
    %dma_wait3A_138 = arith.constant 0 : i32
    %dma_wait3A_139 = arith.constant 0 : i32
    %dma_wait3A_140 = tpu.memref_slice %arg4[%dma_wait3A_137, %dma_wait3A_138, %dma_wait3A_139] : memref<10240x2x128xbf16, #tpu.memory_space<hbm>> -> memref<10240x2x128xbf16, #tpu.memory_space<hbm>>
    tpu.wait_indirect_dma semaphore(%arg11 : memref<!tpu.dma_semaphore, #tpu.memory_space<semaphore_mem>>) src(%dma_wait3A_140 : memref<10240x2x128xbf16, #tpu.memory_space<hbm>>) dst(%dma_wait3A_133 : memref<128x2x128xbf16, #tpu.memory_space<vmem>>)
    %run_scoped3A_141 = arith.constant 0 : i32
    %run_scoped3A_142 = arith.constant 38 : i32
    %run_scoped3A_143 = arith.constant 0 : i32
    "tpu.region"() ({
      %run_scoped3A_170 = tpu.sem_alloc : memref<!tpu.dma_semaphore, #tpu.memory_space<semaphore_mem>>
      %dma_start3A_171 = arith.constant 0 : i32
      %dma_start3A_172 = arith.constant 0 : i32
      %dma_start3A_173 = arith.constant 0 : i32
      %dma_start3A_174 = tpu.memref_slice %arg10[%run_scoped3A_141, %dma_start3A_171, %dma_start3A_172, %dma_start3A_173] : memref<2x128x2x128xbf16, #tpu.memory_space<vmem>> -> memref<1x128x2x128xbf16, #tpu.memory_space<vmem>>
      %dma_start3A_175 = tpu.memref_squeeze %dma_start3A_174 : memref<1x128x2x128xbf16, #tpu.memory_space<vmem>> -> memref<128x2x128xbf16, #tpu.memory_space<vmem>>
      %dma_start3A_176 = arith.constant 0 : i32
      %dma_start3A_177 = tpu.memref_slice %arg9[%run_scoped3A_142, %run_scoped3A_143, %dma_start3A_176] : memref<40x1x128xi32, #tpu.memory_space<vmem>> -> memref<1x1x128xi32, #tpu.memory_space<vmem>>
      %dma_start3A_178 = tpu.memref_squeeze %dma_start3A_177 : memref<1x1x128xi32, #tpu.memory_space<vmem>> -> memref<128xi32, #tpu.memory_space<vmem>>
      %dma_start3A_179 = arith.constant 0 : i32
      %dma_start3A_180 = arith.constant 0 : i32
      %dma_start3A_181 = arith.constant 0 : i32
      %dma_start3A_182 = tpu.memref_slice %arg7[%dma_start3A_179, %dma_start3A_180, %dma_start3A_181] : memref<10240x2x128xbf16, #tpu.memory_space<vmem_shared>> -> memref<10240x2x128xbf16, #tpu.memory_space<vmem_shared>>
      tpu.enqueue_indirect_dma source(%dma_start3A_175 : memref<128x2x128xbf16, #tpu.memory_space<vmem>>) target(%dma_start3A_182 : memref<10240x2x128xbf16, #tpu.memory_space<vmem_shared>>) offsets(%dma_start3A_178 : memref<128xi32, #tpu.memory_space<vmem>>) semaphore(%run_scoped3A_170 : memref<!tpu.dma_semaphore, #tpu.memory_space<semaphore_mem>>) {add = true}
      %dma_wait3A_183 = arith.constant 0 : i32
      %dma_wait3A_184 = arith.constant 0 : i32
      %dma_wait3A_185 = arith.constant 0 : i32
      %dma_wait3A_186 = tpu.memref_slice %arg10[%run_scoped3A_141, %dma_wait3A_183, %dma_wait3A_184, %dma_wait3A_185] : memref<2x128x2x128xbf16, #tpu.memory_space<vmem>> -> memref<1x128x2x128xbf16, #tpu.memory_space<vmem>>
      %dma_wait3A_187 = tpu.memref_squeeze %dma_wait3A_186 : memref<1x128x2x128xbf16, #tpu.memory_space<vmem>> -> memref<128x2x128xbf16, #tpu.memory_space<vmem>>
      %dma_wait3A_188 = arith.constant 0 : i32
      %dma_wait3A_189 = tpu.memref_slice %arg9[%run_scoped3A_142, %run_scoped3A_143, %dma_wait3A_188] : memref<40x1x128xi32, #tpu.memory_space<vmem>> -> memref<1x1x128xi32, #tpu.memory_space<vmem>>
      %dma_wait3A_190 = tpu.memref_squeeze %dma_wait3A_189 : memref<1x1x128xi32, #tpu.memory_space<vmem>> -> memref<128xi32, #tpu.memory_space<vmem>>
      %dma_wait3A_191 = arith.constant 0 : i32
      %dma_wait3A_192 = arith.constant 0 : i32
      %dma_wait3A_193 = arith.constant 0 : i32
      %dma_wait3A_194 = tpu.memref_slice %arg7[%dma_wait3A_191, %dma_wait3A_192, %dma_wait3A_193] : memref<10240x2x128xbf16, #tpu.memory_space<vmem_shared>> -> memref<10240x2x128xbf16, #tpu.memory_space<vmem_shared>>
      tpu.wait_indirect_dma semaphore(%run_scoped3A_170 : memref<!tpu.dma_semaphore, #tpu.memory_space<semaphore_mem>>) src(%dma_wait3A_187 : memref<128x2x128xbf16, #tpu.memory_space<vmem>>) dst(%dma_wait3A_194 : memref<10240x2x128xbf16, #tpu.memory_space<vmem_shared>>)
      tpu.yield
    }) : () -> ()
    %dma_wait3A_144 = arith.constant 39 : i32
    %dma_wait3A_145 = arith.constant 0 : i32
    %dma_wait3A_146 = arith.constant 1 : i32
    %dma_wait3A_147 = arith.constant 0 : i32
    %dma_wait3A_148 = arith.constant 0 : i32
    %dma_wait3A_149 = arith.constant 0 : i32
    %dma_wait3A_150 = tpu.memref_slice %arg10[%dma_wait3A_146, %dma_wait3A_147, %dma_wait3A_148, %dma_wait3A_149] : memref<2x128x2x128xbf16, #tpu.memory_space<vmem>> -> memref<1x128x2x128xbf16, #tpu.memory_space<vmem>>
    %dma_wait3A_151 = tpu.memref_squeeze %dma_wait3A_150 : memref<1x128x2x128xbf16, #tpu.memory_space<vmem>> -> memref<128x2x128xbf16, #tpu.memory_space<vmem>>
    %dma_wait3A_152 = arith.constant 0 : i32
    %dma_wait3A_153 = tpu.memref_slice %arg8[%dma_wait3A_144, %dma_wait3A_145, %dma_wait3A_152] : memref<40x1x128xi32, #tpu.memory_space<vmem>> -> memref<1x1x128xi32, #tpu.memory_space<vmem>>
    %dma_wait3A_154 = tpu.memref_squeeze %dma_wait3A_153 : memref<1x1x128xi32, #tpu.memory_space<vmem>> -> memref<128xi32, #tpu.memory_space<vmem>>
    %dma_wait3A_155 = arith.constant 0 : i32
    %dma_wait3A_156 = arith.constant 0 : i32
    %dma_wait3A_157 = arith.constant 0 : i32
    %dma_wait3A_158 = tpu.memref_slice %arg4[%dma_wait3A_155, %dma_wait3A_156, %dma_wait3A_157] : memref<10240x2x128xbf16, #tpu.memory_space<hbm>> -> memref<10240x2x128xbf16, #tpu.memory_space<hbm>>
    tpu.wait_indirect_dma semaphore(%arg12 : memref<!tpu.dma_semaphore, #tpu.memory_space<semaphore_mem>>) src(%dma_wait3A_158 : memref<10240x2x128xbf16, #tpu.memory_space<hbm>>) dst(%dma_wait3A_151 : memref<128x2x128xbf16, #tpu.memory_space<vmem>>)
    %run_scoped3A_159 = arith.constant 1 : i32
    %run_scoped3A_160 = arith.constant 39 : i32
    %run_scoped3A_161 = arith.constant 0 : i32
    "tpu.region"() ({
      %run_scoped3A_170 = tpu.sem_alloc : memref<!tpu.dma_semaphore, #tpu.memory_space<semaphore_mem>>
      %dma_start3A_171 = arith.constant 0 : i32
      %dma_start3A_172 = arith.constant 0 : i32
      %dma_start3A_173 = arith.constant 0 : i32
      %dma_start3A_174 = tpu.memref_slice %arg10[%run_scoped3A_159, %dma_start3A_171, %dma_start3A_172, %dma_start3A_173] : memref<2x128x2x128xbf16, #tpu.memory_space<vmem>> -> memref<1x128x2x128xbf16, #tpu.memory_space<vmem>>
      %dma_start3A_175 = tpu.memref_squeeze %dma_start3A_174 : memref<1x128x2x128xbf16, #tpu.memory_space<vmem>> -> memref<128x2x128xbf16, #tpu.memory_space<vmem>>
      %dma_start3A_176 = arith.constant 0 : i32
      %dma_start3A_177 = tpu.memref_slice %arg9[%run_scoped3A_160, %run_scoped3A_161, %dma_start3A_176] : memref<40x1x128xi32, #tpu.memory_space<vmem>> -> memref<1x1x128xi32, #tpu.memory_space<vmem>>
      %dma_start3A_178 = tpu.memref_squeeze %dma_start3A_177 : memref<1x1x128xi32, #tpu.memory_space<vmem>> -> memref<128xi32, #tpu.memory_space<vmem>>
      %dma_start3A_179 = arith.constant 0 : i32
      %dma_start3A_180 = arith.constant 0 : i32
      %dma_start3A_181 = arith.constant 0 : i32
      %dma_start3A_182 = tpu.memref_slice %arg7[%dma_start3A_179, %dma_start3A_180, %dma_start3A_181] : memref<10240x2x128xbf16, #tpu.memory_space<vmem_shared>> -> memref<10240x2x128xbf16, #tpu.memory_space<vmem_shared>>
      tpu.enqueue_indirect_dma source(%dma_start3A_175 : memref<128x2x128xbf16, #tpu.memory_space<vmem>>) target(%dma_start3A_182 : memref<10240x2x128xbf16, #tpu.memory_space<vmem_shared>>) offsets(%dma_start3A_178 : memref<128xi32, #tpu.memory_space<vmem>>) semaphore(%run_scoped3A_170 : memref<!tpu.dma_semaphore, #tpu.memory_space<semaphore_mem>>) {add = true}
      %dma_wait3A_183 = arith.constant 0 : i32
      %dma_wait3A_184 = arith.constant 0 : i32
      %dma_wait3A_185 = arith.constant 0 : i32
      %dma_wait3A_186 = tpu.memref_slice %arg10[%run_scoped3A_159, %dma_wait3A_183, %dma_wait3A_184, %dma_wait3A_185] : memref<2x128x2x128xbf16, #tpu.memory_space<vmem>> -> memref<1x128x2x128xbf16, #tpu.memory_space<vmem>>
      %dma_wait3A_187 = tpu.memref_squeeze %dma_wait3A_186 : memref<1x128x2x128xbf16, #tpu.memory_space<vmem>> -> memref<128x2x128xbf16, #tpu.memory_space<vmem>>
      %dma_wait3A_188 = arith.constant 0 : i32
      %dma_wait3A_189 = tpu.memref_slice %arg9[%run_scoped3A_160, %run_scoped3A_161, %dma_wait3A_188] : memref<40x1x128xi32, #tpu.memory_space<vmem>> -> memref<1x1x128xi32, #tpu.memory_space<vmem>>
      %dma_wait3A_190 = tpu.memref_squeeze %dma_wait3A_189 : memref<1x1x128xi32, #tpu.memory_space<vmem>> -> memref<128xi32, #tpu.memory_space<vmem>>
      %dma_wait3A_191 = arith.constant 0 : i32
      %dma_wait3A_192 = arith.constant 0 : i32
      %dma_wait3A_193 = arith.constant 0 : i32
      %dma_wait3A_194 = tpu.memref_slice %arg7[%dma_wait3A_191, %dma_wait3A_192, %dma_wait3A_193] : memref<10240x2x128xbf16, #tpu.memory_space<vmem_shared>> -> memref<10240x2x128xbf16, #tpu.memory_space<vmem_shared>>
      tpu.wait_indirect_dma semaphore(%run_scoped3A_170 : memref<!tpu.dma_semaphore, #tpu.memory_space<semaphore_mem>>) src(%dma_wait3A_187 : memref<128x2x128xbf16, #tpu.memory_space<vmem>>) dst(%dma_wait3A_194 : memref<10240x2x128xbf16, #tpu.memory_space<vmem_shared>>)
      tpu.yield
    }) : () -> ()
    %barrier3A_162 = arith.constant 0 : index
    tpu.barrier barrier_id(%barrier3A_162)
    %mul3A_163 = arith.constant 640 : i32
    %mul3A_164 = arith.muli %arg1, %mul3A_163 : i32
    %mul3A_165 = arith.constant 10240 : i32
    %mul3A_166 = arith.muli %arg0, %mul3A_165 : i32
    %mul3A_167 = arith.constant 640 : i32
    %mul3A_168 = arith.muli %arg1, %mul3A_167 : i32
    %add3A_169 = arith.addi %mul3A_166, %mul3A_168 : i32
    "tpu.region"() ({
      %run_scoped3A_170 = tpu.sem_alloc : memref<!tpu.dma_semaphore, #tpu.memory_space<semaphore_mem>>
      %dma_start3A_171 = arith.constant 0 : i32
      %dma_start3A_172 = arith.constant 0 : i32
      %dma_start3A_173 = tpu.memref_slice %arg6[%add3A_169, %dma_start3A_171, %dma_start3A_172] : memref<20480x2x128xbf16, #tpu.memory_space<hbm>> -> memref<640x2x128xbf16, #tpu.memory_space<hbm>>
      %dma_start3A_174 = arith.constant 0 : i32
      %dma_start3A_175 = arith.constant 0 : i32
      %dma_start3A_176 = tpu.memref_slice %arg7[%mul3A_164, %dma_start3A_174, %dma_start3A_175] : memref<10240x2x128xbf16, #tpu.memory_space<vmem_shared>> -> memref<640x2x128xbf16, #tpu.memory_space<vmem_shared>>
      tpu.enqueue_dma source(%dma_start3A_176 : memref<640x2x128xbf16, #tpu.memory_space<vmem_shared>>) target(%dma_start3A_173 : memref<640x2x128xbf16, #tpu.memory_space<hbm>>) target_semaphore(%run_scoped3A_170 : memref<!tpu.dma_semaphore, #tpu.memory_space<semaphore_mem>>)
      %dma_wait3A_177 = arith.constant 0 : i32
      %dma_wait3A_178 = arith.constant 0 : i32
      %dma_wait3A_179 = tpu.memref_slice %arg6[%add3A_169, %dma_wait3A_177, %dma_wait3A_178] : memref<20480x2x128xbf16, #tpu.memory_space<hbm>> -> memref<640x2x128xbf16, #tpu.memory_space<hbm>>
      %dma_wait3A_180 = arith.constant 0 : i32
      %dma_wait3A_181 = arith.constant 0 : i32
      %dma_wait3A_182 = tpu.memref_slice %arg7[%mul3A_164, %dma_wait3A_180, %dma_wait3A_181] : memref<10240x2x128xbf16, #tpu.memory_space<vmem_shared>> -> memref<640x2x128xbf16, #tpu.memory_space<vmem_shared>>
      tpu.wait_dma2 semaphore(%run_scoped3A_170 : memref<!tpu.dma_semaphore, #tpu.memory_space<semaphore_mem>>) src(%dma_wait3A_182 : memref<640x2x128xbf16, #tpu.memory_space<vmem_shared>>) dst(%dma_wait3A_179 : memref<640x2x128xbf16, #tpu.memory_space<hbm>>)
      tpu.yield
    }) : () -> ()
    return
  }
}

#map = affine_map<(d0, d1) -> (0, 0, 0)>
#map1 = affine_map<(d0, d1) -> (0)>
#map2 = affine_map<(d0, d1) -> (0, 0)>
module attributes {stable_mosaic.version = 14 : i64} {
  func.func @_s1_kernel(%arg0: i32, %arg1: i32, %arg2: memref<2560x1x128xi32, #tpu.memory_space<hbm>>, %arg3: memref<2560x1x128xi32, #tpu.memory_space<hbm>>, %arg4: memref<10240xf32, #tpu.memory_space<hbm>>, %arg5: memref<32x10240xf32, #tpu.memory_space<hbm>>, %arg6: memref<80x1x128xi32, #tpu.memory_space<vmem>>, %arg7: memref<80x1x128xi32, #tpu.memory_space<vmem>>, %arg8: memref<10240xf32, #tpu.memory_space<vmem>>, %arg9: memref<10240xf32, #tpu.memory_space<vmem>>) attributes {dimension_semantics = [#tpu.dimension_semantics<core_parallel>, #tpu.dimension_semantics<subcore_parallel>], iteration_bounds = array<i64: 2, 16>, scalar_prefetch = 0 : i64, scratch_operands = 4 : i64, tpu.core_type = #tpu.core_type<sc_vector_subcore>, window_params = [{transform_indices = #map}, {transform_indices = #map}, {transform_indices = #map1}, {transform_indices = #map2}]} {
    %mul3A = arith.constant 16 : i32
    %mul3A_0 = arith.muli %arg0, %mul3A : i32
    %add3A = arith.addi %mul3A_0, %arg1 : i32
    %mul3A_1 = arith.constant 80 : i32
    %mul3A_2 = arith.muli %add3A, %mul3A_1 : i32
    "tpu.region"() ({
      %run_scoped3A = tpu.sem_alloc : memref<!tpu.dma_semaphore, #tpu.memory_space<semaphore_mem>>
      %dma_start3A = arith.constant 0 : i32
      %dma_start3A_16 = arith.constant 0 : i32
      %dma_start3A_17 = tpu.memref_slice %arg2[%mul3A_2, %dma_start3A, %dma_start3A_16] : memref<2560x1x128xi32, #tpu.memory_space<hbm>> -> memref<80x1x128xi32, #tpu.memory_space<hbm>>
      %dma_start3A_18 = arith.constant 0 : i32
      %dma_start3A_19 = arith.constant 0 : i32
      %dma_start3A_20 = tpu.memref_slice %arg2[%mul3A_2, %dma_start3A_18, %dma_start3A_19] : memref<2560x1x128xi32, #tpu.memory_space<hbm>> -> memref<80x1x128xi32, #tpu.memory_space<hbm>>
      tpu.enqueue_dma source(%dma_start3A_20 : memref<80x1x128xi32, #tpu.memory_space<hbm>>) target(%arg6 : memref<80x1x128xi32, #tpu.memory_space<vmem>>) target_semaphore(%run_scoped3A : memref<!tpu.dma_semaphore, #tpu.memory_space<semaphore_mem>>)
      %dma_wait3A = arith.constant 0 : i32
      %dma_wait3A_21 = arith.constant 0 : i32
      %dma_wait3A_22 = tpu.memref_slice %arg2[%mul3A_2, %dma_wait3A, %dma_wait3A_21] : memref<2560x1x128xi32, #tpu.memory_space<hbm>> -> memref<80x1x128xi32, #tpu.memory_space<hbm>>
      %dma_wait3A_23 = arith.constant 0 : i32
      %dma_wait3A_24 = arith.constant 0 : i32
      %dma_wait3A_25 = tpu.memref_slice %arg2[%mul3A_2, %dma_wait3A_23, %dma_wait3A_24] : memref<2560x1x128xi32, #tpu.memory_space<hbm>> -> memref<80x1x128xi32, #tpu.memory_space<hbm>>
      tpu.wait_dma2 semaphore(%run_scoped3A : memref<!tpu.dma_semaphore, #tpu.memory_space<semaphore_mem>>) src(%dma_wait3A_25 : memref<80x1x128xi32, #tpu.memory_space<hbm>>) dst(%arg6 : memref<80x1x128xi32, #tpu.memory_space<vmem>>)
      tpu.yield
    }) : () -> ()
    %mul3A_3 = arith.constant 80 : i32
    %mul3A_4 = arith.muli %add3A, %mul3A_3 : i32
    "tpu.region"() ({
      %run_scoped3A = tpu.sem_alloc : memref<!tpu.dma_semaphore, #tpu.memory_space<semaphore_mem>>
      %dma_start3A = arith.constant 0 : i32
      %dma_start3A_16 = arith.constant 0 : i32
      %dma_start3A_17 = tpu.memref_slice %arg3[%mul3A_4, %dma_start3A, %dma_start3A_16] : memref<2560x1x128xi32, #tpu.memory_space<hbm>> -> memref<80x1x128xi32, #tpu.memory_space<hbm>>
      %dma_start3A_18 = arith.constant 0 : i32
      %dma_start3A_19 = arith.constant 0 : i32
      %dma_start3A_20 = tpu.memref_slice %arg3[%mul3A_4, %dma_start3A_18, %dma_start3A_19] : memref<2560x1x128xi32, #tpu.memory_space<hbm>> -> memref<80x1x128xi32, #tpu.memory_space<hbm>>
      tpu.enqueue_dma source(%dma_start3A_20 : memref<80x1x128xi32, #tpu.memory_space<hbm>>) target(%arg7 : memref<80x1x128xi32, #tpu.memory_space<vmem>>) target_semaphore(%run_scoped3A : memref<!tpu.dma_semaphore, #tpu.memory_space<semaphore_mem>>)
      %dma_wait3A = arith.constant 0 : i32
      %dma_wait3A_21 = arith.constant 0 : i32
      %dma_wait3A_22 = tpu.memref_slice %arg3[%mul3A_4, %dma_wait3A, %dma_wait3A_21] : memref<2560x1x128xi32, #tpu.memory_space<hbm>> -> memref<80x1x128xi32, #tpu.memory_space<hbm>>
      %dma_wait3A_23 = arith.constant 0 : i32
      %dma_wait3A_24 = arith.constant 0 : i32
      %dma_wait3A_25 = tpu.memref_slice %arg3[%mul3A_4, %dma_wait3A_23, %dma_wait3A_24] : memref<2560x1x128xi32, #tpu.memory_space<hbm>> -> memref<80x1x128xi32, #tpu.memory_space<hbm>>
      tpu.wait_dma2 semaphore(%run_scoped3A : memref<!tpu.dma_semaphore, #tpu.memory_space<semaphore_mem>>) src(%dma_wait3A_25 : memref<80x1x128xi32, #tpu.memory_space<hbm>>) dst(%arg7 : memref<80x1x128xi32, #tpu.memory_space<vmem>>)
      tpu.yield
    }) : () -> ()
    "tpu.region"() ({
      %run_scoped3A = tpu.sem_alloc : memref<!tpu.dma_semaphore, #tpu.memory_space<semaphore_mem>>
      tpu.enqueue_dma source(%arg4 : memref<10240xf32, #tpu.memory_space<hbm>>) target(%arg8 : memref<10240xf32, #tpu.memory_space<vmem>>) target_semaphore(%run_scoped3A : memref<!tpu.dma_semaphore, #tpu.memory_space<semaphore_mem>>)
      tpu.wait_dma2 semaphore(%run_scoped3A : memref<!tpu.dma_semaphore, #tpu.memory_space<semaphore_mem>>) src(%arg4 : memref<10240xf32, #tpu.memory_space<hbm>>) dst(%arg8 : memref<10240xf32, #tpu.memory_space<vmem>>)
      tpu.yield
    }) : () -> ()
    %scan3A = arith.constant 0 : i32
    %scan3A_5 = arith.constant 0 : i32
    %scan3A_6 = arith.constant 640 : i32
    %scan3A_7 = arith.addi %scan3A_5, %scan3A_6 : i32
    %scan3A_8 = arith.constant 1 : i32
    scf.for %scan3A_16 = %scan3A_5 to %scan3A_7 step %scan3A_8  : i32 {
      %broadcast_in_dim3A = arith.constant 0.000000e+00 : f32
      %broadcast_in_dim3A_17 = vector.broadcast %broadcast_in_dim3A : f32 to vector<16xf32>
      %mul3A_18 = arith.constant 16 : i32
      %mul3A_19 = arith.muli %scan3A_16, %mul3A_18 : i32
      %swap3A = arith.index_cast %mul3A_19 : i32 to index
      %swap3A_20 = tpu.vector_load %arg9[%swap3A] {strides = array<i32>} : memref<10240xf32, #tpu.memory_space<vmem>>, vector<16xf32>,
      tpu.vector_store %arg9[%swap3A], %broadcast_in_dim3A_17 {strides = array<i32>} : memref<10240xf32, #tpu.memory_space<vmem>>, vector<16xf32>,
    }
    %scan3A_9 = arith.constant 640 : i32
    %scan3A_10 = arith.constant 0 : i32
    %scan3A_11 = arith.constant 0 : i32
    %scan3A_12 = arith.constant 80 : i32
    %scan3A_13 = arith.addi %scan3A_11, %scan3A_12 : i32
    %scan3A_14 = arith.constant 1 : i32
    scf.for %scan3A_16 = %scan3A_11 to %scan3A_13 step %scan3A_14  : i32 {
      %get3A = arith.constant 0 : i32
      %get3A_17 = arith.index_cast %scan3A_16 : i32 to index
      %get3A_18 = arith.index_cast %get3A : i32 to index
      %get3A_19 = arith.constant 0 : index
      %get3A_20 = tpu.vector_load %arg6[%get3A_17, %get3A_18, %get3A_19] {strides = array<i32>} : memref<80x1x128xi32, #tpu.memory_space<vmem>>, vector<16xi32>,
      %get3A_21 = arith.constant 0 : i32
      %get3A_22 = arith.index_cast %scan3A_16 : i32 to index
      %get3A_23 = arith.index_cast %get3A_21 : i32 to index
      %get3A_24 = arith.constant 0 : index
      %get3A_25 = tpu.vector_load %arg7[%get3A_22, %get3A_23, %get3A_24] {strides = array<i32>} : memref<80x1x128xi32, #tpu.memory_space<vmem>>, vector<16xi32>,
      %gather3A = tpu.vector_load_idx %arg8[%get3A_20] : memref<10240xf32, #tpu.memory_space<vmem>>[vector<16xi32>], vector<16xf32>,
      tpu.vector_store_idx %arg9[%get3A_25], %gather3A {add = true} : memref<10240xf32, #tpu.memory_space<vmem>>[vector<16xi32>], vector<16xf32>,
      %get3A_26 = arith.constant 0 : i32
      %get3A_27 = arith.index_cast %scan3A_16 : i32 to index
      %get3A_28 = arith.index_cast %get3A_26 : i32 to index
      %get3A_29 = arith.constant 16 : index
      %get3A_30 = tpu.vector_load %arg6[%get3A_27, %get3A_28, %get3A_29] {strides = array<i32>} : memref<80x1x128xi32, #tpu.memory_space<vmem>>, vector<16xi32>,
      %get3A_31 = arith.constant 0 : i32
      %get3A_32 = arith.index_cast %scan3A_16 : i32 to index
      %get3A_33 = arith.index_cast %get3A_31 : i32 to index
      %get3A_34 = arith.constant 16 : index
      %get3A_35 = tpu.vector_load %arg7[%get3A_32, %get3A_33, %get3A_34] {strides = array<i32>} : memref<80x1x128xi32, #tpu.memory_space<vmem>>, vector<16xi32>,
      %gather3A_36 = tpu.vector_load_idx %arg8[%get3A_30] : memref<10240xf32, #tpu.memory_space<vmem>>[vector<16xi32>], vector<16xf32>,
      tpu.vector_store_idx %arg9[%get3A_35], %gather3A_36 {add = true} : memref<10240xf32, #tpu.memory_space<vmem>>[vector<16xi32>], vector<16xf32>,
      %get3A_37 = arith.constant 0 : i32
      %get3A_38 = arith.index_cast %scan3A_16 : i32 to index
      %get3A_39 = arith.index_cast %get3A_37 : i32 to index
      %get3A_40 = arith.constant 32 : index
      %get3A_41 = tpu.vector_load %arg6[%get3A_38, %get3A_39, %get3A_40] {strides = array<i32>} : memref<80x1x128xi32, #tpu.memory_space<vmem>>, vector<16xi32>,
      %get3A_42 = arith.constant 0 : i32
      %get3A_43 = arith.index_cast %scan3A_16 : i32 to index
      %get3A_44 = arith.index_cast %get3A_42 : i32 to index
      %get3A_45 = arith.constant 32 : index
      %get3A_46 = tpu.vector_load %arg7[%get3A_43, %get3A_44, %get3A_45] {strides = array<i32>} : memref<80x1x128xi32, #tpu.memory_space<vmem>>, vector<16xi32>,
      %gather3A_47 = tpu.vector_load_idx %arg8[%get3A_41] : memref<10240xf32, #tpu.memory_space<vmem>>[vector<16xi32>], vector<16xf32>,
      tpu.vector_store_idx %arg9[%get3A_46], %gather3A_47 {add = true} : memref<10240xf32, #tpu.memory_space<vmem>>[vector<16xi32>], vector<16xf32>,
      %get3A_48 = arith.constant 0 : i32
      %get3A_49 = arith.index_cast %scan3A_16 : i32 to index
      %get3A_50 = arith.index_cast %get3A_48 : i32 to index
      %get3A_51 = arith.constant 48 : index
      %get3A_52 = tpu.vector_load %arg6[%get3A_49, %get3A_50, %get3A_51] {strides = array<i32>} : memref<80x1x128xi32, #tpu.memory_space<vmem>>, vector<16xi32>,
      %get3A_53 = arith.constant 0 : i32
      %get3A_54 = arith.index_cast %scan3A_16 : i32 to index
      %get3A_55 = arith.index_cast %get3A_53 : i32 to index
      %get3A_56 = arith.constant 48 : index
      %get3A_57 = tpu.vector_load %arg7[%get3A_54, %get3A_55, %get3A_56] {strides = array<i32>} : memref<80x1x128xi32, #tpu.memory_space<vmem>>, vector<16xi32>,
      %gather3A_58 = tpu.vector_load_idx %arg8[%get3A_52] : memref<10240xf32, #tpu.memory_space<vmem>>[vector<16xi32>], vector<16xf32>,
      tpu.vector_store_idx %arg9[%get3A_57], %gather3A_58 {add = true} : memref<10240xf32, #tpu.memory_space<vmem>>[vector<16xi32>], vector<16xf32>,
      %get3A_59 = arith.constant 0 : i32
      %get3A_60 = arith.index_cast %scan3A_16 : i32 to index
      %get3A_61 = arith.index_cast %get3A_59 : i32 to index
      %get3A_62 = arith.constant 64 : index
      %get3A_63 = tpu.vector_load %arg6[%get3A_60, %get3A_61, %get3A_62] {strides = array<i32>} : memref<80x1x128xi32, #tpu.memory_space<vmem>>, vector<16xi32>,
      %get3A_64 = arith.constant 0 : i32
      %get3A_65 = arith.index_cast %scan3A_16 : i32 to index
      %get3A_66 = arith.index_cast %get3A_64 : i32 to index
      %get3A_67 = arith.constant 64 : index
      %get3A_68 = tpu.vector_load %arg7[%get3A_65, %get3A_66, %get3A_67] {strides = array<i32>} : memref<80x1x128xi32, #tpu.memory_space<vmem>>, vector<16xi32>,
      %gather3A_69 = tpu.vector_load_idx %arg8[%get3A_63] : memref<10240xf32, #tpu.memory_space<vmem>>[vector<16xi32>], vector<16xf32>,
      tpu.vector_store_idx %arg9[%get3A_68], %gather3A_69 {add = true} : memref<10240xf32, #tpu.memory_space<vmem>>[vector<16xi32>], vector<16xf32>,
      %get3A_70 = arith.constant 0 : i32
      %get3A_71 = arith.index_cast %scan3A_16 : i32 to index
      %get3A_72 = arith.index_cast %get3A_70 : i32 to index
      %get3A_73 = arith.constant 80 : index
      %get3A_74 = tpu.vector_load %arg6[%get3A_71, %get3A_72, %get3A_73] {strides = array<i32>} : memref<80x1x128xi32, #tpu.memory_space<vmem>>, vector<16xi32>,
      %get3A_75 = arith.constant 0 : i32
      %get3A_76 = arith.index_cast %scan3A_16 : i32 to index
      %get3A_77 = arith.index_cast %get3A_75 : i32 to index
      %get3A_78 = arith.constant 80 : index
      %get3A_79 = tpu.vector_load %arg7[%get3A_76, %get3A_77, %get3A_78] {strides = array<i32>} : memref<80x1x128xi32, #tpu.memory_space<vmem>>, vector<16xi32>,
      %gather3A_80 = tpu.vector_load_idx %arg8[%get3A_74] : memref<10240xf32, #tpu.memory_space<vmem>>[vector<16xi32>], vector<16xf32>,
      tpu.vector_store_idx %arg9[%get3A_79], %gather3A_80 {add = true} : memref<10240xf32, #tpu.memory_space<vmem>>[vector<16xi32>], vector<16xf32>,
      %get3A_81 = arith.constant 0 : i32
      %get3A_82 = arith.index_cast %scan3A_16 : i32 to index
      %get3A_83 = arith.index_cast %get3A_81 : i32 to index
      %get3A_84 = arith.constant 96 : index
      %get3A_85 = tpu.vector_load %arg6[%get3A_82, %get3A_83, %get3A_84] {strides = array<i32>} : memref<80x1x128xi32, #tpu.memory_space<vmem>>, vector<16xi32>,
      %get3A_86 = arith.constant 0 : i32
      %get3A_87 = arith.index_cast %scan3A_16 : i32 to index
      %get3A_88 = arith.index_cast %get3A_86 : i32 to index
      %get3A_89 = arith.constant 96 : index
      %get3A_90 = tpu.vector_load %arg7[%get3A_87, %get3A_88, %get3A_89] {strides = array<i32>} : memref<80x1x128xi32, #tpu.memory_space<vmem>>, vector<16xi32>,
      %gather3A_91 = tpu.vector_load_idx %arg8[%get3A_85] : memref<10240xf32, #tpu.memory_space<vmem>>[vector<16xi32>], vector<16xf32>,
      tpu.vector_store_idx %arg9[%get3A_90], %gather3A_91 {add = true} : memref<10240xf32, #tpu.memory_space<vmem>>[vector<16xi32>], vector<16xf32>,
      %get3A_92 = arith.constant 0 : i32
      %get3A_93 = arith.index_cast %scan3A_16 : i32 to index
      %get3A_94 = arith.index_cast %get3A_92 : i32 to index
      %get3A_95 = arith.constant 112 : index
      %get3A_96 = tpu.vector_load %arg6[%get3A_93, %get3A_94, %get3A_95] {strides = array<i32>} : memref<80x1x128xi32, #tpu.memory_space<vmem>>, vector<16xi32>,
      %get3A_97 = arith.constant 0 : i32
      %get3A_98 = arith.index_cast %scan3A_16 : i32 to index
      %get3A_99 = arith.index_cast %get3A_97 : i32 to index
      %get3A_100 = arith.constant 112 : index
      %get3A_101 = tpu.vector_load %arg7[%get3A_98, %get3A_99, %get3A_100] {strides = array<i32>} : memref<80x1x128xi32, #tpu.memory_space<vmem>>, vector<16xi32>,
      %gather3A_102 = tpu.vector_load_idx %arg8[%get3A_96] : memref<10240xf32, #tpu.memory_space<vmem>>[vector<16xi32>], vector<16xf32>,
      tpu.vector_store_idx %arg9[%get3A_101], %gather3A_102 {add = true} : memref<10240xf32, #tpu.memory_space<vmem>>[vector<16xi32>], vector<16xf32>,
    }
    %scan3A_15 = arith.constant 80 : i32
    "tpu.region"() ({
      %run_scoped3A = tpu.sem_alloc : memref<!tpu.dma_semaphore, #tpu.memory_space<semaphore_mem>>
      %dma_start3A = arith.constant 0 : i32
      %dma_start3A_16 = tpu.memref_slice %arg5[%add3A, %dma_start3A] : memref<32x10240xf32, #tpu.memory_space<hbm>> -> memref<1x10240xf32, #tpu.memory_space<hbm>>
      %dma_start3A_17 = tpu.memref_squeeze %dma_start3A_16 : memref<1x10240xf32, #tpu.memory_space<hbm>> -> memref<10240xf32, #tpu.memory_space<hbm>>
      %dma_start3A_18 = arith.constant 0 : i32
      %dma_start3A_19 = tpu.memref_slice %arg5[%add3A, %dma_start3A_18] : memref<32x10240xf32, #tpu.memory_space<hbm>> -> memref<1x10240xf32, #tpu.memory_space<hbm>>
      %dma_start3A_20 = tpu.memref_squeeze %dma_start3A_19 : memref<1x10240xf32, #tpu.memory_space<hbm>> -> memref<10240xf32, #tpu.memory_space<hbm>>
      tpu.enqueue_dma source(%arg9 : memref<10240xf32, #tpu.memory_space<vmem>>) target(%dma_start3A_20 : memref<10240xf32, #tpu.memory_space<hbm>>) target_semaphore(%run_scoped3A : memref<!tpu.dma_semaphore, #tpu.memory_space<semaphore_mem>>)
      %dma_wait3A = arith.constant 0 : i32
      %dma_wait3A_21 = tpu.memref_slice %arg5[%add3A, %dma_wait3A] : memref<32x10240xf32, #tpu.memory_space<hbm>> -> memref<1x10240xf32, #tpu.memory_space<hbm>>
      %dma_wait3A_22 = tpu.memref_squeeze %dma_wait3A_21 : memref<1x10240xf32, #tpu.memory_space<hbm>> -> memref<10240xf32, #tpu.memory_space<hbm>>
      %dma_wait3A_23 = arith.constant 0 : i32
      %dma_wait3A_24 = tpu.memref_slice %arg5[%add3A, %dma_wait3A_23] : memref<32x10240xf32, #tpu.memory_space<hbm>> -> memref<1x10240xf32, #tpu.memory_space<hbm>>
      %dma_wait3A_25 = tpu.memref_squeeze %dma_wait3A_24 : memref<1x10240xf32, #tpu.memory_space<hbm>> -> memref<10240xf32, #tpu.memory_space<hbm>>
      tpu.wait_dma2 semaphore(%run_scoped3A : memref<!tpu.dma_semaphore, #tpu.memory_space<semaphore_mem>>) src(%arg9 : memref<10240xf32, #tpu.memory_space<vmem>>) dst(%dma_wait3A_25 : memref<10240xf32, #tpu.memory_space<hbm>>)
      tpu.yield
    }) : () -> ()
    return
  }
}

module attributes {stable_mosaic.version = 14 : i64} {
  func.func @_prep_body(%arg0: i32, %arg1: memref<32x2048xf32, #tpu.memory_space<vmem>>, %arg2: memref<2048x128xf32, #tpu.memory_space<vmem>>, %arg3: memref<2048x128xf32, #tpu.memory_space<vmem>>, %arg4: memref<2048x256xbf16, #tpu.memory_space<vmem>>, %arg5: memref<2048x128xf32, #tpu.memory_space<vmem>>) attributes {dimension_semantics = [#tpu.dimension_semantics<arbitrary>], iteration_bounds = array<i64: 5>, scalar_prefetch = 0 : i64, scratch_operands = 0 : i64, tpu.core_type = #tpu.core_type<tc>, window_params = [{transform_indices = @transform_0, window_bounds = array<i64: 32, 2048>}, {transform_indices = @transform_1, window_bounds = array<i64: 2048, 128>}, {transform_indices = @transform_2, window_bounds = array<i64: 2048, 128>}, {transform_indices = @transform_3, window_bounds = array<i64: 2048, 256>}, {transform_indices = @transform_4, window_bounds = array<i64: 2048, 128>}]} {
    %get3A = arith.constant 0 : index
    %get3A_0 = arith.constant 0 : index
    %get3A_1 = vector.load %arg1[%get3A, %get3A_0] : memref<32x2048xf32, #tpu.memory_space<vmem>>, vector<32x2048xf32>
    %reduce_sum3A = arith.constant dense<0.000000e+00> : vector<2048xf32>
    %reduce_sum3A_2 = vector.multi_reduction <add>, %get3A_1, %reduce_sum3A [0] : vector<32x2048xf32> to vector<2048xf32>
    %gt3A = arith.constant 0.000000e+00 : f32
    %gt3A_3 = vector.broadcast %gt3A : f32 to vector<2048xf32>
    %gt3A_4 = arith.cmpf ogt, %reduce_sum3A_2, %gt3A_3 : vector<2048xf32>
    %rsqrt3A = math.rsqrt %reduce_sum3A_2 : vector<2048xf32>
    %jit3A = arith.constant 0.000000e+00 : f32
    %broadcast_in_dim3A = vector.broadcast %jit3A : f32 to vector<2048xf32>
    %select_n3A = arith.select %gt3A_4, %rsqrt3A, %broadcast_in_dim3A : vector<2048xi1>, vector<2048xf32>
    %broadcast_in_dim3A_5 = vector.shape_cast %select_n3A : vector<2048xf32> to vector<2048x1xf32>
    %get3A_6 = arith.constant 0 : index
    %get3A_7 = arith.constant 0 : index
    %get3A_8 = vector.load %arg2[%get3A_6, %get3A_7] : memref<2048x128xf32, #tpu.memory_space<vmem>>, vector<2048x128xf32>
    %ne3A = arith.cmpf one, %get3A_8, %get3A_8 : vector<2048x128xf32>
    %jit3A_9 = arith.constant 0.000000e+00 : f32
    %broadcast_in_dim3A_10 = vector.broadcast %jit3A_9 : f32 to vector<2048x128xf32>
    %select_n3A_11 = arith.select %ne3A, %broadcast_in_dim3A_10, %get3A_8 : vector<2048x128xi1>, vector<2048x128xf32>
    %get3A_12 = arith.constant 0 : index
    %get3A_13 = arith.constant 0 : index
    %get3A_14 = vector.load %arg3[%get3A_12, %get3A_13] : memref<2048x128xf32, #tpu.memory_space<vmem>>, vector<2048x128xf32>
    %mul3A = vector.broadcast %broadcast_in_dim3A_5 : vector<2048x1xf32> to vector<2048x128xf32>
    %mul3A_15 = arith.mulf %mul3A, %get3A_14 : vector<2048x128xf32>
    %mul3A_16 = arith.mulf %mul3A_15, %select_n3A_11 : vector<2048x128xf32>
    %mul3A_17 = vector.broadcast %broadcast_in_dim3A_5 : vector<2048x1xf32> to vector<2048x128xf32>
    %mul3A_18 = arith.mulf %mul3A_17, %get3A_14 : vector<2048x128xf32>
    %concatenate3A = tpu.concatenate %mul3A_16, %mul3A_18 in 1 : vector<2048x128xf32>, vector<2048x128xf32> -> vector<2048x256xf32>
    %convert_element_type3A = arith.truncf %concatenate3A : vector<2048x256xf32> to vector<2048x256xbf16>
    %swap3A = arith.constant 0 : index
    %swap3A_19 = arith.constant 0 : index
    %swap3A_20 = vector.load %arg4[%swap3A, %swap3A_19] : memref<2048x256xbf16, #tpu.memory_space<vmem>>, vector<2048x256xbf16>
    tpu.vector_store %arg4[%swap3A, %swap3A_19], %convert_element_type3A {strides = array<i32>} : memref<2048x256xbf16, #tpu.memory_space<vmem>>, vector<2048x256xbf16>,
    %broadcast_in_dim3A_21 = vector.shape_cast %broadcast_in_dim3A_5 : vector<2048x1xf32> to vector<2048x1xf32>
    %broadcast_in_dim3A_22 = vector.broadcast %broadcast_in_dim3A_21 : vector<2048x1xf32> to vector<2048x128xf32>
    %swap3A_23 = arith.constant 0 : index
    %swap3A_24 = arith.constant 0 : index
    %swap3A_25 = vector.load %arg5[%swap3A_23, %swap3A_24] : memref<2048x128xf32, #tpu.memory_space<vmem>>, vector<2048x128xf32>
    tpu.vector_store %arg5[%swap3A_23, %swap3A_24], %broadcast_in_dim3A_22 {strides = array<i32>} : memref<2048x128xf32, #tpu.memory_space<vmem>>, vector<2048x128xf32>,
    return
  }
  func.func @transform_0(%arg0: i32) -> (i32, i32) {
    %c0_i32 = arith.constant 0 : i32
    %c0_i32_0 = arith.constant 0 : i32
    return %c0_i32, %arg0 : i32, i32
  }
  func.func @transform_1(%arg0: i32) -> (i32, i32) {
    %c0_i32 = arith.constant 0 : i32
    %c0_i32_0 = arith.constant 0 : i32
    return %arg0, %c0_i32 : i32, i32
  }
  func.func @transform_2(%arg0: i32) -> (i32, i32) {
    %c0_i32 = arith.constant 0 : i32
    %c0_i32_0 = arith.constant 0 : i32
    return %arg0, %c0_i32 : i32, i32
  }
  func.func @transform_3(%arg0: i32) -> (i32, i32) {
    %c0_i32 = arith.constant 0 : i32
    %c0_i32_0 = arith.constant 0 : i32
    return %arg0, %c0_i32 : i32, i32
  }
  func.func @transform_4(%arg0: i32) -> (i32, i32) {
    %c0_i32 = arith.constant 0 : i32
    %c0_i32_0 = arith.constant 0 : i32
    return %arg0, %c0_i32 : i32, i32
  }
}

module attributes {stable_mosaic.version = 14 : i64} {
  func.func @_final_body(%arg0: i32, %arg1: memref<2048x256xbf16, #tpu.memory_space<vmem>>, %arg2: memref<2048x256xbf16, #tpu.memory_space<vmem>>, %arg3: memref<32x2048xf32, #tpu.memory_space<vmem>>, %arg4: memref<2048x128xf32, #tpu.memory_space<vmem>>, %arg5: memref<128x128xf32, #tpu.memory_space<vmem>>, %arg6: memref<1x128xf32, #tpu.memory_space<vmem>>, %arg7: memref<2048x128xf32, #tpu.memory_space<vmem>>) attributes {dimension_semantics = [#tpu.dimension_semantics<arbitrary>], iteration_bounds = array<i64: 5>, scalar_prefetch = 0 : i64, scratch_operands = 0 : i64, tpu.core_type = #tpu.core_type<tc>, window_params = [{transform_indices = @transform_0, window_bounds = array<i64: 2048, 256>}, {transform_indices = @transform_1, window_bounds = array<i64: 2048, 256>}, {transform_indices = @transform_2, window_bounds = array<i64: 32, 2048>}, {transform_indices = @transform_3, window_bounds = array<i64: 2048, 128>}, {pipeline_mode = #tpu.pipeline_mode<synchronous>, transform_indices = @transform_4, window_bounds = array<i64: 128, 128>}, {pipeline_mode = #tpu.pipeline_mode<synchronous>, transform_indices = @transform_5, window_bounds = array<i64: 1, 128>}, {transform_indices = @transform_6, window_bounds = array<i64: 2048, 128>}]} {
    %get3A = arith.constant 0 : index
    %get3A_0 = arith.constant 0 : index
    %get3A_1 = vector.load %arg1[%get3A, %get3A_0] : memref<2048x256xbf16, #tpu.memory_space<vmem>>, vector<2048x256xbf16>
    %convert_element_type3A = arith.extf %get3A_1 : vector<2048x256xbf16> to vector<2048x256xf32>
    %get3A_2 = arith.constant 0 : index
    %get3A_3 = arith.constant 0 : index
    %get3A_4 = vector.load %arg2[%get3A_2, %get3A_3] : memref<2048x256xbf16, #tpu.memory_space<vmem>>, vector<2048x256xbf16>
    %convert_element_type3A_5 = arith.extf %get3A_4 : vector<2048x256xbf16> to vector<2048x256xf32>
    %add3A = arith.addf %convert_element_type3A, %convert_element_type3A_5 : vector<2048x256xf32>
    %slice3A = vector.extract_strided_slice %add3A {offsets = [0, 0], sizes = [2048, 128], strides = [1, 1]} : vector<2048x256xf32> to vector<2048x128xf32>
    %slice3A_6 = vector.extract_strided_slice %add3A {offsets = [0, 128], sizes = [2048, 128], strides = [1, 1]} : vector<2048x256xf32> to vector<2048x128xf32>
    %get3A_7 = arith.constant 0 : index
    %get3A_8 = arith.constant 0 : index
    %get3A_9 = vector.load %arg3[%get3A_7, %get3A_8] : memref<32x2048xf32, #tpu.memory_space<vmem>>, vector<32x2048xf32>
    %reduce_sum3A = arith.constant dense<0.000000e+00> : vector<2048xf32>
    %reduce_sum3A_10 = vector.multi_reduction <add>, %get3A_9, %reduce_sum3A [0] : vector<32x2048xf32> to vector<2048xf32>
    %get3A_11 = arith.constant 0 : index
    %get3A_12 = arith.constant 0 : index
    %get3A_13 = vector.load %arg4[%get3A_11, %get3A_12] : memref<2048x128xf32, #tpu.memory_space<vmem>>, vector<2048x128xf32>
    %broadcast_in_dim3A = vector.shape_cast %reduce_sum3A_10 : vector<2048xf32> to vector<2048x1xf32>
    %mul3A = vector.broadcast %broadcast_in_dim3A : vector<2048x1xf32> to vector<2048x128xf32>
    %mul3A_14 = arith.mulf %get3A_13, %mul3A : vector<2048x128xf32>
    %mul3A_15 = arith.mulf %mul3A_14, %slice3A : vector<2048x128xf32>
    %div3A = arith.divf %mul3A_15, %slice3A_6 : vector<2048x128xf32>
    %ne3A = arith.cmpf one, %div3A, %div3A : vector<2048x128xf32>
    %jit3A = arith.constant 0.000000e+00 : f32
    %broadcast_in_dim3A_16 = vector.broadcast %jit3A : f32 to vector<2048x128xf32>
    %select_n3A = arith.select %ne3A, %broadcast_in_dim3A_16, %div3A : vector<2048x128xi1>, vector<2048x128xf32>
    %eq3A = arith.constant 0x7F800000 : f32
    %eq3A_17 = vector.broadcast %eq3A : f32 to vector<2048x128xf32>
    %eq3A_18 = arith.cmpf oeq, %select_n3A, %eq3A_17 : vector<2048x128xf32>
    %jit3A_19 = arith.constant 3.40282347E+38 : f32
    %broadcast_in_dim3A_20 = vector.broadcast %jit3A_19 : f32 to vector<2048x128xf32>
    %select_n3A_21 = arith.select %eq3A_18, %broadcast_in_dim3A_20, %select_n3A : vector<2048x128xi1>, vector<2048x128xf32>
    %eq3A_22 = arith.constant 0xFF800000 : f32
    %eq3A_23 = vector.broadcast %eq3A_22 : f32 to vector<2048x128xf32>
    %eq3A_24 = arith.cmpf oeq, %select_n3A_21, %eq3A_23 : vector<2048x128xf32>
    %jit3A_25 = arith.constant -3.40282347E+38 : f32
    %broadcast_in_dim3A_26 = vector.broadcast %jit3A_25 : f32 to vector<2048x128xf32>
    %select_n3A_27 = arith.select %eq3A_24, %broadcast_in_dim3A_26, %select_n3A_21 : vector<2048x128xi1>, vector<2048x128xf32>
    %get3A_28 = arith.constant 0 : index
    %get3A_29 = arith.constant 0 : index
    %get3A_30 = vector.load %arg5[%get3A_28, %get3A_29] : memref<128x128xf32, #tpu.memory_space<vmem>>, vector<128x128xf32>
    %dot_general3A = arith.constant dense<0.000000e+00> : vector<2048x128xf32>
    %dot_general3A_31 = tpu.matmul %select_n3A_27, %get3A_30, %dot_general3A {dimension_numbers = #tpu.dot_dimension_numbers<[1], [0], [0], [1], [0, 0, 1, 1], [], []>, transpose_lhs_hint = false} : vector<2048x128xf32>, vector<128x128xf32>, vector<2048x128xf32> -> vector<2048x128xf32>
    %get3A_32 = arith.constant 0 : index
    %get3A_33 = arith.constant 0 : index
    %get3A_34 = vector.load %arg6[%get3A_32, %get3A_33] : memref<1x128xf32, #tpu.memory_space<vmem>>, vector<1x128xf32>
    %add3A_35 = vector.broadcast %get3A_34 : vector<1x128xf32> to vector<2048x128xf32>
    %add3A_36 = arith.addf %dot_general3A_31, %add3A_35 : vector<2048x128xf32>
    %swap3A = arith.constant 0 : index
    %swap3A_37 = arith.constant 0 : index
    %swap3A_38 = vector.load %arg7[%swap3A, %swap3A_37] : memref<2048x128xf32, #tpu.memory_space<vmem>>, vector<2048x128xf32>
    tpu.vector_store %arg7[%swap3A, %swap3A_37], %add3A_36 {strides = array<i32>} : memref<2048x128xf32, #tpu.memory_space<vmem>>, vector<2048x128xf32>,
    return
  }
  func.func @transform_0(%arg0: i32) -> (i32, i32) {
    %c0_i32 = arith.constant 0 : i32
    %c0_i32_0 = arith.constant 0 : i32
    return %arg0, %c0_i32 : i32, i32
  }
  func.func @transform_1(%arg0: i32) -> (i32, i32) {
    %c0_i32 = arith.constant 0 : i32
    %c0_i32_0 = arith.constant 0 : i32
    return %arg0, %c0_i32 : i32, i32
  }
  func.func @transform_2(%arg0: i32) -> (i32, i32) {
    %c0_i32 = arith.constant 0 : i32
    %c0_i32_0 = arith.constant 0 : i32
    return %c0_i32, %arg0 : i32, i32
  }
  func.func @transform_3(%arg0: i32) -> (i32, i32) {
    %c0_i32 = arith.constant 0 : i32
    %c0_i32_0 = arith.constant 0 : i32
    return %arg0, %c0_i32 : i32, i32
  }
  func.func @transform_4(%arg0: i32) -> (i32, i32) {
    %c0_i32 = arith.constant 0 : i32
    %c0_i32_0 = arith.constant 0 : i32
    %c0_i32_1 = arith.constant 0 : i32
    return %c0_i32, %c0_i32_0 : i32, i32
  }
  func.func @transform_5(%arg0: i32) -> (i32, i32) {
    %c0_i32 = arith.constant 0 : i32
    %c0_i32_0 = arith.constant 0 : i32
    %c0_i32_1 = arith.constant 0 : i32
    return %c0_i32, %c0_i32_0 : i32, i32
  }
  func.func @transform_6(%arg0: i32) -> (i32, i32) {
    %c0_i32 = arith.constant 0 : i32
    %c0_i32_0 = arith.constant 0 : i32
    return %arg0, %c0_i32 : i32, i32
  }
}

</mosaic_0001>

<sc_bundles>
// kernel: kernel.10.cloned.1.call-start
scs
__scs_entry_jumppad:
0x0: {  	(pc) =	sbr.rel $0x88, $3  }
0x1: {  	(tag) =	ssettag $0x0;
	lr =	simm.s32 $0x1  }
0x2: {  	[smem:$0x3F9C] =	sst lr;
	_ =	strace $0xD0000000  }
0x3: {  	_ = 	snop  }
0x4: {  	_ = 	snop  }
0x5: {  	_ = 	snop  }
0x6: {  	_ = 	snop  }
0x7: {  	_ = 	snop  }
__scs_overlays_trampoline_lowered:
0x8: {  	[smem:$0x3FAB] =	sst s0  }
0x9: {  	[smem:$0x3FAC] =	sst s1  }
0xa: {  	[smem:$0x3FAD] =	sst s2  }
0xb: {  	[smem:$0x3FAE] =	sst s3  }
0xc: {  	[smem:$0x3FAF] =	sst s4  }
0xd: {  	[smem:$0x3FB0] =	sst s5  }
0xe: {  	[smem:$0x3FB1] =	sst s6  }
0xf: {  	[smem:$0x3FB2] =	sst s7  }
0x10: {  	[smem:$0x3FB3] =	sst s8  }
0x11: {  	[smem:$0x3FB4] =	sst s9;
	s0 =	simm.s32 @!p0 $0x0  }
0x12: {  	s1 =	sld [smem:$0x3F9A];
	s0 =	simm.s32 @p0 $0x1  }
0x13: {  	[smem:$0x3FB5] =	sst s0;
	s0 =	simm.s32 @!p1 $0x0  }
0x14: {  	s2 =	sld [smem:$0x3F99];
	s0 =	simm.s32 @p1 $0x1  }
0x15: {  	[smem:$0x3FB6] =	sst s0;
	s0 =	simm.s32 @!p2 $0x0  }
0x16: {  	s3 =	sld [smem:$0x3FDB];
	s0 =	simm.s32 @p2 $0x1  }
0x17: {  	s4 =	simm.s32 $0x1BF5;
	[smem:$0x3FB8] =	sst s0  }
0x18: {  	s0 =	sld [smem:$0x3F9B];
	_ =	swait.ge [sflag:s4], $0x0  }
0x19: {  	s7 =	sld [smem:$0x3F9C]  }
0x1a: {  	s8 =	sadd.s32 $0xFFFFE003, lr  }
0x1b: {  	s9 =	sadd.s32 $0xFFFFFEF7, lr;
	s5 =	simm.s32 $0xFFFFFFFF;
	p2 =	slt.u32 s8, $0xFFFFF086  }
0x1c: {  	p1 =	slt.u32 s9, $0xF7A;
	s5 =	simm.s32 @!p2 $0x0  }
0x1d: {  	s5 =	simm.s32 @p1 $0x1;
	p0 =	seq.s32 s7, s2  }
0x1e: {  	s7 =	smul.u32 @!p0 $0xF7A, s2;
	p2 =	seq.s32 @!p0 s5, $0x0  }
0x1f: {  	s9 =	smul.u32 $0xF7A, s1;
	s8 =	simm.s32 @!p0 $0x1BF5;
	p2 =	por !p2, p0  }
0x20: {  	[sflag:s8] =	ssyncset.s32 @!p0 $0xFFFFF086;
	s6 =	sadd.s32 @!p0 s3, s7;
	s7 =	simm.s32 @!p0 $0x108  }
0x21: {  	s3 =	sadd.s32 s3, s9;
	s6 =	sadd.s32 @!p0 $0x88, s6;
	s7 =	simm.s32 @p2 $0x1082  }
0x22: {  	[simem:s7], [sflag:s8] =	dma.local @!p0 [hbm:s6], $0xF7A  }
0x23: {  	s9 =	sor.u32 $0xD0000000, s2;
	s6 =	simm.s32 $0x108;
	_ =	swait.ge @!p0 [sflag:s8], $0x0  }
0x24: {  	s3 =	sadd.s32 $0x88, s3;
	s6 =	simm.s32 @!p1 $0x1082;
	[sflag:s4] =	ssyncset.s32 $0xFFFFF086  }
0x25: {  	[simem:s6], [sflag:s4] =	dma.local [hbm:s3], $0xF7A  }
0x26: {  	[smem:$0x3F9C] =	sst s1;
	(tag) =	ssettag s2;
	_ =	strace s9  }
0x27: {  	s1 =	sld [smem:$0x3FAC]  }
0x28: {  	s2 =	sld [smem:$0x3FAD]  }
0x29: {  	s4 =	sld [smem:$0x3FAF]  }
0x2a: {  	p0 =	seq.s32 s5, $0x0;
	s5 =	sld [smem:$0x3FB0]  }
0x2b: {  	s6 =	sld [smem:$0x3FB1]  }
0x2c: {  	s7 =	sld [smem:$0x3FB2]  }
0x2d: {  	s3 =	simm.s32 $0x108;
	s8 =	sld [smem:$0x3FB3]  }
0x2e: {  	s3 =	simm.s32 @!p0 $0x1082;
	s9 =	sld [smem:$0x3FB4]  }
0x2f: {  	lr =	sadd.s32 s0, s3;
	s0 =	sld [smem:$0x3FAB]  }
0x30: {  	s3 =	sld [smem:$0x3FAE]  }
0x31: {  	[smem:$0x3FB7] =	sst s10  }
0x32: {  	s10 =	sld [smem:$0x3FB5];
	_ =	sdelay $0x3  }
0x33: {  	p0 =	seq.s32 s10, $0x1;
	s10 =	sld [smem:$0x3FB7];
	_ =	sdelay $0x3  }
0x34: {  	[smem:$0x3FB7] =	sst s10  }
0x35: {  	s10 =	sld [smem:$0x3FB6];
	_ =	sdelay $0x3  }
0x36: {  	p1 =	seq.s32 s10, $0x1;
	s10 =	sld [smem:$0x3FB7];
	_ =	sdelay $0x3  }
0x37: {  	[smem:$0x3FB7] =	sst s10  }
0x38: {  	s10 =	sld [smem:$0x3FB8]  }
0x39: {  	_ = 	snop;
	(pc) =	sbr.ind lr, $3  }
0x3a: {  	_ = 	snop  }
0x3b: {  	_ = 	snop  }
0x3c: {  	p2 =	seq.s32 s10, $0x1;
	s10 =	sld [smem:$0x3FB7]  }
0x3d: {  	_ =	shalt  }
0x3e: {  	_ =	shalt  }
0x3f: {  	_ =	shalt  }
0x40: {  	_ =	shalt  }
0x41: {  	_ =	shalt  }
0x42: {  	_ =	shalt  }
0x43: {  	_ =	shalt  }
0x44: {  	_ =	shalt  }
0x45: {  	_ =	shalt  }
0x46: {  	_ =	shalt  }
0x47: {  	_ =	shalt  }
0x48: {  	_ =	shalt  }
0x49: {  	_ =	shalt  }
0x4a: {  	_ =	shalt  }
0x4b: {  	_ =	shalt  }
0x4c: {  	_ =	shalt  }
0x4d: {  	_ =	shalt  }
0x4e: {  	_ =	shalt  }
0x4f: {  	_ =	shalt  }
0x50: {  	_ =	shalt  }
0x51: {  	_ =	shalt  }
0x52: {  	_ =	shalt  }
0x53: {  	_ =	shalt  }
0x54: {  	_ =	shalt  }
0x55: {  	_ =	shalt  }
0x56: {  	_ =	shalt  }
0x57: {  	_ =	shalt  }
0x58: {  	_ =	shalt  }
0x59: {  	_ =	shalt  }
0x5a: {  	_ =	shalt  }
0x5b: {  	_ =	shalt  }
0x5c: {  	_ =	shalt  }
0x5d: {  	_ =	shalt  }
0x5e: {  	_ =	shalt  }
0x5f: {  	_ =	shalt  }
0x60: {  	_ =	shalt  }
0x61: {  	_ =	shalt  }
0x62: {  	_ =	shalt  }
0x63: {  	_ =	shalt  }
0x64: {  	_ =	shalt  }
0x65: {  	_ =	shalt  }
0x66: {  	_ =	shalt  }
0x67: {  	_ =	shalt  }
0x68: {  	_ =	shalt  }
0x69: {  	_ =	shalt  }
0x6a: {  	_ =	shalt  }
0x6b: {  	_ =	shalt  }
0x6c: {  	_ =	shalt  }
0x6d: {  	_ =	shalt  }
0x6e: {  	_ =	shalt  }
0x6f: {  	_ =	shalt  }
0x70: {  	_ =	shalt  }
0x71: {  	_ =	shalt  }
0x72: {  	_ =	shalt  }
0x73: {  	_ =	shalt  }
0x74: {  	_ =	shalt  }
0x75: {  	_ =	shalt  }
0x76: {  	_ =	shalt  }
0x77: {  	_ =	shalt  }
0x78: {  	_ =	shalt  }
0x79: {  	_ =	shalt  }
0x7a: {  	_ =	shalt  }
0x7b: {  	_ =	shalt  }
0x7c: {  	_ =	shalt  }
0x7d: {  	_ =	shalt  }
0x7e: {  	_ =	shalt  }
0x7f: {  	_ =	shalt  }
0x80: {  	_ =	shalt  }
0x81: {  	_ =	shalt  }
0x82: {  	_ =	shalt  }
0x83: {  	_ =	shalt  }
0x84: {  	_ =	shalt  }
0x85: {  	_ =	shalt  }
0x86: {  	_ =	shalt  }
0x87: {  	_ =	shalt  }
.Lfunc_end0:
.L_simem_size_0:
called_computation.1_lowered:
.L_overlay_start_0:
0x88: {  	s2 =	sld [smem:$0x3FD9]  }
0x89: {  	s3 =	sld [smem:$0x3FFE];
	_ =	sdelay $0x1  }
0x8a: {  	s1 =	srdreg.scid  }
0x8b: {  	s0 =	sand.u32 $0x1, s1  }
0x8c: {  	s17 =	sshll.u32 s0, $0xA;
	s2 =	sadd.s32 s3, s2  }
0x8d: {  	s2 =	sadd.s32 s2, s17  }
0x8e: {  	[smem:$0x3FC3] =	sst s2  }
0x8f: {  	_ = 	snop  }
0x90: {  	s18 =	sld [smem:$0x3FD0];
	(tm) =	ssettm $0x1  }
0x91: {  	s19 =	sld [smem:$0x3FFB];
	_ =	sdelay $0x3  }
0x92: {  	_ =	strace s19  }
0x93: {  	s2 =	sld [smem:$0x3FFC];
	_ =	sdelay $0x3  }
0x94: {  	_ =	strace s2  }
0x95: {  	s2 =	sld [smem:$0x3FFD];
	_ =	sdelay $0x3  }
0x96: {  	_ =	strace s2  }
0x97: {  	_ =	strace $0x8FFFFFFF  }
0x98: {  	s20 =	sld [smem:$0x3FDB];
	_ =	sdelay $0x1  }
0x99: {  	s4 =	simm.s32 $_scs_section_size  }
0x9a: {  	s5 =	simm.s32 $_size__tile_overlayer_lowered;
	s6 =	simm.s32 $_tile_overlayer_lowered  }
0x9b: {  	s7 =	simm.s32 $0x1BFF;
	s21 =	sshll.u32 s6, $0x1;
	s4 =	sadd.s32 s4, s20  }
0x9c: {  	s22 =	simm.s32 $0x0;
	s5 =	sshll.u32 s5, $0x1;
	s6 =	sadd.s32 s21, s4  }
0x9d: {  	[timem:s22], [sflag:s7] =	dma.local [hbm:s6], s5  }
0x9e: {  	_ =	swait.ge [sflag:s7], s5  }
0x9f: {  	s5 =	ssub.s32 $0x0, s5;
	[sflag:s7] =	ssyncset.done $0x0  }
0xa0: {  	[sflag:s7] =	ssyncadd.s32 s5;
	_ =	sdelay $0x1  }
0xa1: {  	s23 =	simm.s32 $0x1B8B  }
0xa2: {  	_ =	swait.ge [sflag:s23], $0x1  }
0xa3: {  	[sflag:s23] =	ssyncset.done $0x0  }
0xa4: {  	[sflag:s23] =	ssyncadd.s32 $0xFFFFFFFF  }
0xa5: {  	s5 =	sld [smem:$0x0]  }
0xa6: {  	s6 =	sand.u32 $0xFFFFFFFE, s1  }
0xa7: {  	p0 =	sne.s32 s1, s6  }
0xa8: {  	s6 =	sshll.u32 @p0 s6, $0xE  }
0xa9: {  	s6 =	sadd.s32 @p0 $0x11B8D, s6;
	s7 =	sshll.u32 @p0 s5, $0x11  }
0xaa: {  	s6 =	sor.u32 @p0 s7, s6  }
0xab: {  	[sflag:s6] =	ssyncadd.remote.s32 @p0 $0x1;
	_ =	sdelay $0x1  }
0xac: {  	s6 =	simm.s32 @p0 $0x1B8D  }
0xad: {  	_ =	swait.eq @p0 [sflag:s6], $0x1  }
0xae: {  	[sflag:s6] =	ssyncadd.s32 @p0 $0xFFFFFFFF  }
0xaf: {  	s7 =	sshll.u32 @!p0 s1, $0xE  }
0xb0: {  	s7 =	sor.u32 @!p0 $0x4000, s7;
	s6 =	simm.s32 @!p0 $0x1B8D  }
0xb1: {  	s5 =	sshll.u32 @!p0 s5, $0x11;
	s7 =	sadd.s32 @!p0 $0x11B8D, s7;
	_ =	swait.eq @!p0 [sflag:s6], $0x1  }
0xb2: {  	s5 =	sor.u32 @!p0 s5, s7;
	[sflag:s6] =	ssyncadd.s32 @!p0 $0xFFFFFFFF  }
0xb3: {  	s25 =	simm.s32 $0x1B8E;
	s24 =	sld [smem:$0x3FFE];
	[sflag:s5] =	ssyncadd.remote.s32 @!p0 $0x1  }
0xb4: {  	s26 =	simm.s32 $execute0_lowered;
	[smem:$0x3FD2] =	sst s25  }
0xb5: {  	s6 =	sshll.u32 s26, $0x1;
	_ =	strace $0x8000004C;
	[dreg:$0x1] =	wrdreg $0xFFFFFFFF  }
0xb6: {  	s28 =	simm.s32 $_size_execute0_lowered;
	s4 =	sadd.s32 s4, s6;
	[dreg:$0x0] =	wrdreg $0x0  }
0xb7: {  	s6 =	sshll.u32 s28, $0x1;
	[dreg:$0x2] =	wrdreg s4  }
0xb8: {  	[dreg:$0x3] =	wrdreg s6  }
0xb9: {  	[dreg:$0x4] =	wrdreg $0xC0  }
0xba: {  	_ =	task [dreg:s22], $0x5FFFF  }
0xbb: {  	[dreg:$0x1] =	wrdreg $0xFFFFFFFF  }
0xbc: {  	[dreg:$0x0] =	wrdreg $0x60  }
0xbd: {  	[dreg:$0x2] =	wrdreg s18  }
0xbe: {  	[dreg:$0x3] =	wrdreg s24  }
0xbf: {  	[dreg:$0x4] =	wrdreg $0x9  }
0xc0: {  	_ =	task.clear_ibuf [dreg:s22], $0x5FFFF;
	_ =	strace $0x9000004C  }
0xc1: {  	s29 =	simm.s32 $0x9;
	_ =	strace $0x8000004E  }
0xc2: {  	_ =	swait.ge [sflag:s29], $0x1  }
0xc3: {  	[sflag:s29] =	ssyncadd.s32 $0xFFFFFFFF  }
0xc4: {  	_ =	strace $0x9000004E  }
0xc5: {  	_ =	sfence  }
0xc6: {  	s30 =	sld [smem:$0x0];
	_ =	sdelay $0x2  }
0xc7: {  	s31 =	sshll.u32 s1, $0xD;
	s1 =	sshrl.u32 s1, $0x2  }
0xc8: {  	s4 =	sand.u32 $0x4000, s31;
	s1 =	sadd.s32 s1, s30  }
0xc9: {  	s0 =	sor.u32 s4, s0;
	s1 =	sshll.u32 s1, $0x11  }
0xca: {  	s0 =	sor.u32 s1, s0  }
0xcb: {  	s0 =	sadd.s32 $0x8F2B, s0  }
0xcc: {  	[sflag:s0] =	ssyncadd.remote.s32 $0x1  }
0xcd: {  	_ =	sfence.sel $0xFFFF  }
0xce: {  	[dreg:$0x0] =	wrdreg $0xFFFFFFFF;
	(pc) =	sbr.abs _section_cstart, $3  }
0xcf: {  	[dreg:$0x1] =	wrdreg $0xFFFFFFFF  }
0xd0: {  	_ =	task.clear_ibuf [dreg:s22], $0x2FFFF;
	_ =	strace $0x9FFFFFFF  }
0xd1: {  	(tm) =	ssettm $0x7FFFFFFF  }
tec
execute0_lowered:
.L_overlay_start_1:
0x0: {  	(tag) =	ssettag $0x1  }
0x1: {  	s0 =	srdreg.scid;
	s4 =	rddreg [dreg:$0x0]  }
0x2: {  	s5 =	rddreg [dreg:$0x1];
	s2 =	simm.s32 $0x0;
	s10 =	simm.s32 $0x5000  }
0x3: {  	s11 =	simm.s32 $0x7800;
	s12 =	simm.s32 $0x80;
	s3 =	sand.u32 $0x1, s0  }
0x4: {  	s13 =	simm.s32 $0x400;
	s0 =	stileid.u32;
	s1 =	sshll.u32 s3, $0x4  }
0x5: {  	s14 =	simm.s32 $0x0;
	[smem:$0x7FF] =	sst s2;
	s6 =	sor.u32 s0, s1  }
0x6: {  	s8 =	sshll.u32 s0, $0x7;
	s9 =	ssub.s32 $0x2, s3;
	s7 =	sshrl.u32 s6, $0x3  }
0x7: {  	s3 =	sadd.s32 $0x1800, s5;
	s1 =	rddreg [dreg:$0x2];
	s7 =	smul.u32 $0x14000, s7  }
0x8: {  	s8 =	sand.u32 $0x380, s8;
	s31 =	sshrl.u32 s9, $0x1;
	s6 =	smul.u32 $0x500, s6  }
0x9: {  	_ =	strace $0x8000004D;
	s9 =	ssub.s32 s9, s31;
	s7 =	sor.u32 s8, s7  }
0xa: {  	s30 =	sadd.s32 s6, s5;
	s4 =	sadd.s32 s4, s6;
	s7 =	sshrl.u32 s7, $0x3  }
0xb: {  	s8 =	simm.s32 $0x1;
	s7 =	sadd.s32 s7, s5;
	s5 =	sadd.s32 $0x33800, s30  }
0xc: {  	v0 =	vimm.f32 $0.0e+00;
	s6 =	sadd.s32 $0xB5800, s7;
	s7 =	smax.u32 s9, $0x1;
	s9 =	simm.s32 $0x2800  }
.LBB2_1:
0xd: {  	[tilespmem:s2], [sflag:$0x1] =	stream.linear.gather [hbm4b:s4+s2], $0x2800, $0x38;
	[tilespmem:$0xA000] =	vst v63  }
0xe: {  	_ =	swait.ge [sflag:s8], $0x2800  }
0xf: {  	[sflag:s8] =	ssyncset.done $0x0  }
0x10: {  	[sflag:s8] =	ssyncadd.s32 $0xFFFFD800  }
0x11: {  	[tilespmem:s9], [sflag:$0x1] =	stream.linear.gather [hbm4b:s5+s2], $0x2800, $0x38;
	[tilespmem:$0xA000] =	vst v63  }
0x12: {  	_ =	swait.ge [sflag:s8], $0x2800  }
0x13: {  	[sflag:s8] =	ssyncset.done $0x0  }
0x14: {  	[sflag:s8] =	ssyncadd.s32 $0xFFFFD800  }
0x15: {  	[tilespmem:s10], [sflag:$0x1] =	stream.linear.gather [hbm4b:s3+s2], $0x2800, $0x38;
	[tilespmem:$0xA000] =	vst v63  }
0x16: {  	_ =	swait.ge [sflag:s8], $0x2800  }
0x17: {  	[sflag:s8] =	ssyncset.done $0x0  }
0x18: {  	s15 =	simm.s32 $0x0;
	[sflag:s8] =	ssyncadd.s32 $0xFFFFD800  }
.LBB2_2:
0x19: {  	p0 =	sne.s32 s15, $0x9FC0  }
.Ltmp0:
0x1a: {  	_ = 	snop;
	(pc) =	sbr.rel @p0 .LBB2_2-.Ltmp0, $3  }
0x1b: {  	_ =	sdelay $0x1  }
0x1c: {  	s16 =	sshra.s32 s15, $0x2  }
0x1d: {  	s15 =	sadd.s32 $0x40, s15;
	[tilespmem:s16+$0x7800] =	vst v0  }
0x1e: {  	s15 =	simm.s32 $0x0  }
.LBB2_4:
0x1f: {  	s16 =	sshra.s32 s15, $0x2  }
0x20: {  	v1 =	vld [tilespmem:s16+$0x0];
	_ =	sdelay $0x4  }
0x21: {  	v2 =	vld [tilespmem:s16+$0x2800];
	_ =	sdelay $0x2  }
0x22: {  	v1 =	vld.idx.msk [tilespmem:v1+s10+$0x0], $0xffff;
	_ =	sdelay $0x4  }
0x23: {  	[tilespmem:v2+s11+$0x0] =	vst.idx.add.f32.msk $0xffff, v1  }
0x24: {  	v1 =	vld [tilespmem:s16+$0x10];
	_ =	sdelay $0x4  }
0x25: {  	v2 =	vld [tilespmem:s16+$0x2810];
	_ =	sdelay $0x2  }
0x26: {  	v1 =	vld.idx.msk [tilespmem:v1+s10+$0x0], $0xffff;
	_ =	sdelay $0x4  }
0x27: {  	[tilespmem:v2+s11+$0x0] =	vst.idx.add.f32.msk $0xffff, v1  }
0x28: {  	v1 =	vld [tilespmem:s16+$0x20];
	_ =	sdelay $0x4  }
0x29: {  	v2 =	vld [tilespmem:s16+$0x2820];
	_ =	sdelay $0x2  }
0x2a: {  	v1 =	vld.idx.msk [tilespmem:v1+s10+$0x0], $0xffff;
	_ =	sdelay $0x4  }
0x2b: {  	[tilespmem:v2+s11+$0x0] =	vst.idx.add.f32.msk $0xffff, v1  }
0x2c: {  	v1 =	vld [tilespmem:s16+$0x30];
	_ =	sdelay $0x4  }
0x2d: {  	v2 =	vld [tilespmem:s16+$0x2830];
	_ =	sdelay $0x2  }
0x2e: {  	v1 =	vld.idx.msk [tilespmem:v1+s10+$0x0], $0xffff;
	_ =	sdelay $0x4  }
0x2f: {  	[tilespmem:v2+s11+$0x0] =	vst.idx.add.f32.msk $0xffff, v1  }
0x30: {  	v1 =	vld [tilespmem:s16+$0x40];
	_ =	sdelay $0x4  }
0x31: {  	v2 =	vld [tilespmem:s16+$0x2840];
	_ =	sdelay $0x2  }
0x32: {  	v1 =	vld.idx.msk [tilespmem:v1+s10+$0x0], $0xffff;
	_ =	sdelay $0x4  }
0x33: {  	[tilespmem:v2+s11+$0x0] =	vst.idx.add.f32.msk $0xffff, v1  }
0x34: {  	v1 =	vld [tilespmem:s16+$0x50];
	_ =	sdelay $0x4  }
0x35: {  	v2 =	vld [tilespmem:s16+$0x2850];
	_ =	sdelay $0x2  }
0x36: {  	v1 =	vld.idx.msk [tilespmem:v1+s10+$0x0], $0xffff;
	_ =	sdelay $0x4  }
0x37: {  	[tilespmem:v2+s11+$0x0] =	vst.idx.add.f32.msk $0xffff, v1  }
0x38: {  	v1 =	vld [tilespmem:s16+$0x60];
	_ =	sdelay $0x4  }
0x39: {  	v2 =	vld [tilespmem:s16+$0x2860];
	_ =	sdelay $0x2  }
0x3a: {  	v1 =	vld.idx.msk [tilespmem:v1+s10+$0x0], $0xffff;
	_ =	sdelay $0x4  }
0x3b: {  	[tilespmem:v2+s11+$0x0] =	vst.idx.add.f32.msk $0xffff, v1  }
0x3c: {  	v1 =	vld [tilespmem:s16+$0x70];
	_ =	sdelay $0x4  }
0x3d: {  	v2 =	vld [tilespmem:s16+$0x2870];
	_ =	sdelay $0x2  }
0x3e: {  	p0 =	sne.s32 s15, $0x9E00;
	v1 =	vld.idx.msk [tilespmem:v1+s10+$0x0], $0xffff  }
.Ltmp1:
0x3f: {  	_ = 	snop;
	(pc) =	sbr.rel @p0 .LBB2_4-.Ltmp1, $2  }
0x40: {  	_ =	sdelay $0x2  }
0x41: {  	s15 =	sadd.s32 $0x200, s15;
	[tilespmem:v2+s11+$0x0] =	vst.idx.add.f32.msk $0xffff, v1  }
0x42: {  	s14 =	sadd.s32 $0x1, s14  }
0x43: {  	p0 =	sne.s32 s14, s7  }
.Ltmp2:
0x44: {  	_ = 	snop;
	(pc) =	sbr.rel @p0 .LBB2_1-.Ltmp2, $4  }
0x45: {  	[hbm4b:s6+s12] =	stream.strided.scatter [tilespmem:s11], [sflag:$0x1], $0x2800, s13, s12, $0x38;
	[tilespmem:$0xA000] =	vst v63  }
0x46: {  	_ =	swait.ge [sflag:s8], $0x2800  }
0x47: {  	[sflag:s8] =	ssyncset.done $0x0  }
0x48: {  	[sflag:s8] =	ssyncadd.s32 $0xFFFFD800  }
0x49: {  	_ =	sfence.sel $0x180000  }
0x4a: {  	[bflag:$0x0] =	sbarrier.arrive $0xFFFF  }
0x4b: {  	p0 =	sne.s32 s0, $0x0;
	_ =	strace $0x9000004D  }
0x4c: {  	s0 =	sadd.s32 @!p0 $0x100000, s1;
	[bflag:$0x2] =	sbarrier.arrive $0xFFFF  }
0x4d: {  	[sflag:s0] =	ssyncadd.tile.s32 @!p0 $0x1;
	_ =	shalt  }
.Lfunc_end2:
_tile_overlayer_lowered:
.L_overlay_start_2:
0x4e: {  	(tag) =	ssettag $0x2  }
0x4f: {  	s0 =	rddreg [dreg:$0x0];
	s2 =	stileid.u32  }
0x50: {  	s1 =	rddreg [dreg:$0x1];
	p0 =	sne.s32 s2, $0x0  }
0x51: {  	s3 =	rddreg [dreg:$0x2];
	[bflag:$0x3] =	sbarrier.arrive $0xFFFF;
	s2 =	simm.s32 @!p0 $0x1C01  }
0x52: {  	[timem:s3], [sflag:s2] =	dma.local @!p0 [hbm:s0], s1  }
0x53: {  	s0 =	simm.s32 @!p0 $0x1  }
0x54: {  	_ =	swait.ge @!p0 [sflag:s0], s1  }
0x55: {  	s1 =	ssub.s32 @!p0 $0x0, s1;
	[sflag:s0] =	ssyncset.done @!p0 $0x0  }
0x56: {  	[sflag:s0] =	ssyncadd.s32 @!p0 s1  }
0x57: {  	[bflag:$0x3] =	sbarrier.arrive $0xFFFF  }
0x58: {  	_ =	shalt  }

// kernel: kernel.13.cloned.1.call-start
scs
__scs_entry_jumppad:
0x0: {  	(pc) =	sbr.rel $0x88, $3  }
0x1: {  	(tag) =	ssettag $0x0;
	lr =	simm.s32 $0x1  }
0x2: {  	[smem:$0x3F9C] =	sst lr;
	_ =	strace $0xD0000000  }
0x3: {  	_ = 	snop  }
0x4: {  	_ = 	snop  }
0x5: {  	_ = 	snop  }
0x6: {  	_ = 	snop  }
0x7: {  	_ = 	snop  }
__scs_overlays_trampoline_lowered:
0x8: {  	[smem:$0x3FAB] =	sst s0  }
0x9: {  	[smem:$0x3FAC] =	sst s1  }
0xa: {  	[smem:$0x3FAD] =	sst s2  }
0xb: {  	[smem:$0x3FAE] =	sst s3  }
0xc: {  	[smem:$0x3FAF] =	sst s4  }
0xd: {  	[smem:$0x3FB0] =	sst s5  }
0xe: {  	[smem:$0x3FB1] =	sst s6  }
0xf: {  	[smem:$0x3FB2] =	sst s7  }
0x10: {  	[smem:$0x3FB3] =	sst s8  }
0x11: {  	[smem:$0x3FB4] =	sst s9;
	s0 =	simm.s32 @!p0 $0x0  }
0x12: {  	s1 =	sld [smem:$0x3F9A];
	s0 =	simm.s32 @p0 $0x1  }
0x13: {  	[smem:$0x3FB5] =	sst s0;
	s0 =	simm.s32 @!p1 $0x0  }
0x14: {  	s2 =	sld [smem:$0x3F99];
	s0 =	simm.s32 @p1 $0x1  }
0x15: {  	[smem:$0x3FB6] =	sst s0;
	s0 =	simm.s32 @!p2 $0x0  }
0x16: {  	s3 =	sld [smem:$0x3FDB];
	s0 =	simm.s32 @p2 $0x1  }
0x17: {  	s4 =	simm.s32 $0x1BF5;
	[smem:$0x3FB8] =	sst s0  }
0x18: {  	s0 =	sld [smem:$0x3F9B];
	_ =	swait.ge [sflag:s4], $0x0  }
0x19: {  	s7 =	sld [smem:$0x3F9C]  }
0x1a: {  	s8 =	sadd.s32 $0xFFFFE003, lr  }
0x1b: {  	s9 =	sadd.s32 $0xFFFFFEF7, lr;
	s5 =	simm.s32 $0xFFFFFFFF;
	p2 =	slt.u32 s8, $0xFFFFF086  }
0x1c: {  	p1 =	slt.u32 s9, $0xF7A;
	s5 =	simm.s32 @!p2 $0x0  }
0x1d: {  	s5 =	simm.s32 @p1 $0x1;
	p0 =	seq.s32 s7, s2  }
0x1e: {  	s7 =	smul.u32 @!p0 $0xF7A, s2;
	p2 =	seq.s32 @!p0 s5, $0x0  }
0x1f: {  	s9 =	smul.u32 $0xF7A, s1;
	s8 =	simm.s32 @!p0 $0x1BF5;
	p2 =	por !p2, p0  }
0x20: {  	[sflag:s8] =	ssyncset.s32 @!p0 $0xFFFFF086;
	s6 =	sadd.s32 @!p0 s3, s7;
	s7 =	simm.s32 @!p0 $0x108  }
0x21: {  	s3 =	sadd.s32 s3, s9;
	s6 =	sadd.s32 @!p0 $0x88, s6;
	s7 =	simm.s32 @p2 $0x1082  }
0x22: {  	[simem:s7], [sflag:s8] =	dma.local @!p0 [hbm:s6], $0xF7A  }
0x23: {  	s9 =	sor.u32 $0xD0000000, s2;
	s6 =	simm.s32 $0x108;
	_ =	swait.ge @!p0 [sflag:s8], $0x0  }
0x24: {  	s3 =	sadd.s32 $0x88, s3;
	s6 =	simm.s32 @!p1 $0x1082;
	[sflag:s4] =	ssyncset.s32 $0xFFFFF086  }
0x25: {  	[simem:s6], [sflag:s4] =	dma.local [hbm:s3], $0xF7A  }
0x26: {  	[smem:$0x3F9C] =	sst s1;
	(tag) =	ssettag s2;
	_ =	strace s9  }
0x27: {  	s1 =	sld [smem:$0x3FAC]  }
0x28: {  	s2 =	sld [smem:$0x3FAD]  }
0x29: {  	s4 =	sld [smem:$0x3FAF]  }
0x2a: {  	p0 =	seq.s32 s5, $0x0;
	s5 =	sld [smem:$0x3FB0]  }
0x2b: {  	s6 =	sld [smem:$0x3FB1]  }
0x2c: {  	s7 =	sld [smem:$0x3FB2]  }
0x2d: {  	s3 =	simm.s32 $0x108;
	s8 =	sld [smem:$0x3FB3]  }
0x2e: {  	s3 =	simm.s32 @!p0 $0x1082;
	s9 =	sld [smem:$0x3FB4]  }
0x2f: {  	lr =	sadd.s32 s0, s3;
	s0 =	sld [smem:$0x3FAB]  }
0x30: {  	s3 =	sld [smem:$0x3FAE]  }
0x31: {  	[smem:$0x3FB7] =	sst s10  }
0x32: {  	s10 =	sld [smem:$0x3FB5];
	_ =	sdelay $0x3  }
0x33: {  	p0 =	seq.s32 s10, $0x1;
	s10 =	sld [smem:$0x3FB7];
	_ =	sdelay $0x3  }
0x34: {  	[smem:$0x3FB7] =	sst s10  }
0x35: {  	s10 =	sld [smem:$0x3FB6];
	_ =	sdelay $0x3  }
0x36: {  	p1 =	seq.s32 s10, $0x1;
	s10 =	sld [smem:$0x3FB7];
	_ =	sdelay $0x3  }
0x37: {  	[smem:$0x3FB7] =	sst s10  }
0x38: {  	s10 =	sld [smem:$0x3FB8]  }
0x39: {  	_ = 	snop;
	(pc) =	sbr.ind lr, $3  }
0x3a: {  	_ = 	snop  }
0x3b: {  	_ = 	snop  }
0x3c: {  	p2 =	seq.s32 s10, $0x1;
	s10 =	sld [smem:$0x3FB7]  }
0x3d: {  	_ =	shalt  }
0x3e: {  	_ =	shalt  }
0x3f: {  	_ =	shalt  }
0x40: {  	_ =	shalt  }
0x41: {  	_ =	shalt  }
0x42: {  	_ =	shalt  }
0x43: {  	_ =	shalt  }
0x44: {  	_ =	shalt  }
0x45: {  	_ =	shalt  }
0x46: {  	_ =	shalt  }
0x47: {  	_ =	shalt  }
0x48: {  	_ =	shalt  }
0x49: {  	_ =	shalt  }
0x4a: {  	_ =	shalt  }
0x4b: {  	_ =	shalt  }
0x4c: {  	_ =	shalt  }
0x4d: {  	_ =	shalt  }
0x4e: {  	_ =	shalt  }
0x4f: {  	_ =	shalt  }
0x50: {  	_ =	shalt  }
0x51: {  	_ =	shalt  }
0x52: {  	_ =	shalt  }
0x53: {  	_ =	shalt  }
0x54: {  	_ =	shalt  }
0x55: {  	_ =	shalt  }
0x56: {  	_ =	shalt  }
0x57: {  	_ =	shalt  }
0x58: {  	_ =	shalt  }
0x59: {  	_ =	shalt  }
0x5a: {  	_ =	shalt  }
0x5b: {  	_ =	shalt  }
0x5c: {  	_ =	shalt  }
0x5d: {  	_ =	shalt  }
0x5e: {  	_ =	shalt  }
0x5f: {  	_ =	shalt  }
0x60: {  	_ =	shalt  }
0x61: {  	_ =	shalt  }
0x62: {  	_ =	shalt  }
0x63: {  	_ =	shalt  }
0x64: {  	_ =	shalt  }
0x65: {  	_ =	shalt  }
0x66: {  	_ =	shalt  }
0x67: {  	_ =	shalt  }
0x68: {  	_ =	shalt  }
0x69: {  	_ =	shalt  }
0x6a: {  	_ =	shalt  }
0x6b: {  	_ =	shalt  }
0x6c: {  	_ =	shalt  }
0x6d: {  	_ =	shalt  }
0x6e: {  	_ =	shalt  }
0x6f: {  	_ =	shalt  }
0x70: {  	_ =	shalt  }
0x71: {  	_ =	shalt  }
0x72: {  	_ =	shalt  }
0x73: {  	_ =	shalt  }
0x74: {  	_ =	shalt  }
0x75: {  	_ =	shalt  }
0x76: {  	_ =	shalt  }
0x77: {  	_ =	shalt  }
0x78: {  	_ =	shalt  }
0x79: {  	_ =	shalt  }
0x7a: {  	_ =	shalt  }
0x7b: {  	_ =	shalt  }
0x7c: {  	_ =	shalt  }
0x7d: {  	_ =	shalt  }
0x7e: {  	_ =	shalt  }
0x7f: {  	_ =	shalt  }
0x80: {  	_ =	shalt  }
0x81: {  	_ =	shalt  }
0x82: {  	_ =	shalt  }
0x83: {  	_ =	shalt  }
0x84: {  	_ =	shalt  }
0x85: {  	_ =	shalt  }
0x86: {  	_ =	shalt  }
0x87: {  	_ =	shalt  }
.Lfunc_end0:
.L_simem_size_0:
called_computation.2_lowered:
.L_overlay_start_0:
0x88: {  	s2 =	sld [smem:$0x3FD9]  }
0x89: {  	s3 =	sld [smem:$0x3FFE];
	_ =	sdelay $0x1  }
0x8a: {  	s1 =	srdreg.scid  }
0x8b: {  	s0 =	sand.u32 $0x1, s1  }
0x8c: {  	s17 =	sshll.u32 s0, $0xA;
	s2 =	sadd.s32 s3, s2  }
0x8d: {  	s2 =	sadd.s32 s2, s17  }
0x8e: {  	[smem:$0x3FC3] =	sst s2  }
0x8f: {  	_ = 	snop  }
0x90: {  	s2 =	sld [smem:$0x3FD0];
	(tm) =	ssettm $0x1  }
0x91: {  	s18 =	sld [smem:$0x3FFB];
	_ =	sdelay $0x3  }
0x92: {  	_ =	strace s18  }
0x93: {  	s3 =	sld [smem:$0x3FFC];
	_ =	sdelay $0x3  }
0x94: {  	_ =	strace s3  }
0x95: {  	s3 =	sld [smem:$0x3FFD];
	_ =	sdelay $0x3  }
0x96: {  	_ =	strace s3  }
0x97: {  	_ =	strace $0x8FFFFFFF  }
0x98: {  	s19 =	sld [smem:$0x3FDB];
	_ =	sdelay $0x1  }
0x99: {  	s4 =	simm.s32 $_scs_section_size  }
0x9a: {  	s5 =	simm.s32 $_size__tile_overlayer_lowered;
	s6 =	simm.s32 $_tile_overlayer_lowered  }
0x9b: {  	s22 =	simm.s32 $0x1BFF;
	s21 =	sshll.u32 s6, $0x1;
	s3 =	sadd.s32 s4, s19  }
0x9c: {  	s7 =	simm.s32 $0x0;
	s20 =	sshll.u32 s5, $0x1;
	s5 =	sadd.s32 s21, s3  }
0x9d: {  	[timem:s7], [sflag:s22] =	dma.local [hbm:s5], s20  }
0x9e: {  	_ =	swait.ge [sflag:s22], s20  }
0x9f: {  	s4 =	ssub.s32 $0x0, s20;
	[sflag:s22] =	ssyncset.done $0x0  }
0xa0: {  	[sflag:s22] =	ssyncadd.s32 s4;
	_ =	sdelay $0x1  }
0xa1: {  	s23 =	simm.s32 $0x1B8B  }
0xa2: {  	_ =	swait.ge [sflag:s23], $0x1  }
0xa3: {  	[sflag:s23] =	ssyncset.done $0x0  }
0xa4: {  	s25 =	simm.s32 $0x1B8E;
	s24 =	sld [smem:$0x3FFE];
	[sflag:s23] =	ssyncadd.s32 $0xFFFFFFFF  }
0xa5: {  	s26 =	simm.s32 $execute0_lowered;
	[smem:$0x3FD2] =	sst s25  }
0xa6: {  	s5 =	sshll.u32 s26, $0x1;
	_ =	strace $0x80000049;
	[dreg:$0x1] =	wrdreg $0xFFFFFFFF  }
0xa7: {  	s28 =	simm.s32 $_size_execute0_lowered;
	s3 =	sadd.s32 s3, s5;
	[dreg:$0x0] =	wrdreg $0x0  }
0xa8: {  	s5 =	sshll.u32 s28, $0x1;
	[dreg:$0x2] =	wrdreg s3  }
0xa9: {  	[dreg:$0x3] =	wrdreg s5  }
0xaa: {  	[dreg:$0x4] =	wrdreg $0xC0  }
0xab: {  	_ =	task [dreg:s7], $0x5FFFF  }
0xac: {  	[dreg:$0x1] =	wrdreg $0xFFFFFFFF  }
0xad: {  	[dreg:$0x0] =	wrdreg $0x60  }
0xae: {  	[dreg:$0x2] =	wrdreg s2  }
0xaf: {  	[dreg:$0x3] =	wrdreg s24  }
0xb0: {  	[dreg:$0x4] =	wrdreg $0x0  }
0xb1: {  	[dreg:$0x5] =	wrdreg $0xA  }
0xb2: {  	_ =	task.clear_ibuf [dreg:s7], $0x6FFFF;
	_ =	strace $0x90000049  }
0xb3: {  	s29 =	simm.s32 $0xA;
	_ =	strace $0x8000004B  }
0xb4: {  	_ =	swait.ge [sflag:s29], $0x1  }
0xb5: {  	[sflag:s29] =	ssyncadd.s32 $0xFFFFFFFF  }
0xb6: {  	_ =	strace $0x9000004B  }
0xb7: {  	_ =	sfence  }
0xb8: {  	s30 =	sld [smem:$0x0];
	_ =	sdelay $0x2  }
0xb9: {  	s31 =	sshll.u32 s1, $0xD;
	s1 =	sshrl.u32 s1, $0x2  }
0xba: {  	s3 =	sand.u32 $0x4000, s31;
	s1 =	sadd.s32 s1, s30  }
0xbb: {  	s0 =	sor.u32 s3, s0;
	s1 =	sshll.u32 s1, $0x11  }
0xbc: {  	s0 =	sor.u32 s1, s0  }
0xbd: {  	s0 =	sadd.s32 $0x8F2B, s0  }
0xbe: {  	[sflag:s0] =	ssyncadd.remote.s32 $0x1  }
0xbf: {  	_ =	sfence.sel $0xFFFF  }
0xc0: {  	[dreg:$0x0] =	wrdreg $0xFFFFFFFF;
	(pc) =	sbr.abs _section_cstart, $3  }
0xc1: {  	[dreg:$0x1] =	wrdreg $0xFFFFFFFF  }
0xc2: {  	_ =	task.clear_ibuf [dreg:s7], $0x2FFFF;
	_ =	strace $0x9FFFFFFF  }
0xc3: {  	(tm) =	ssettm $0x7FFFFFFF  }
tec
execute0_lowered:
.L_overlay_start_1:
0x0: {  	(tag) =	ssettag $0x1  }
0x1: {  	s9 =	rddreg [dreg:$0x0]  }
0x2: {  	s5 =	rddreg [dreg:$0x1]  }
0x3: {  	s2 =	rddreg [dreg:$0x2]  }
0x4: {  	s0 =	rddreg [dreg:$0x3];
	s3 =	simm.s32 $0x0;
	s1 =	stileid.u32  }
0x5: {  	s4 =	srdreg.scid;
	s16 =	simm.s32 $0x15400;
	s17 =	simm.s32 $0x80  }
0x6: {  	s18 =	simm.s32 $0x16800;
	s19 =	simm.s32 $0x14080;
	s20 =	simm.s32 $0x1A800  }
0x7: {  	s21 =	simm.s32 $0x1;
	[smem:$0x7FF] =	sst s3;
	s6 =	smul.u32 $0x28000, s1  }
0x8: {  	s7 =	sand.u32 $0x1, s4;
	s8 =	smul.u32 $0x2800, s1;
	s10 =	sadd.s32 $0x33800, s5  }
0x9: {  	s4 =	sadd.s32 $0x3D800, s5;
	s30 =	sshll.u32 s1, $0x6;
	_ =	strace $0x8000004A  }
0xa: {  	s12 =	smul.u32 $0x28000, s7;
	s13 =	sshll.u32 s7, $0x4;
	s7 =	ssub.s32 $0x2, s7  }
0xb: {  	s11 =	sshrl.u32 s6, $0x4;
	s22 =	ssub.s32 s1, s13;
	s24 =	sshrl.u32 s7, $0x1  }
0xc: {  	s26 =	sshrl.u32 s6, $0x1;
	s6 =	sor.u32 $0x1C03, s30;
	s11 =	sadd.s32 s11, s5  }
0xd: {  	s8 =	sadd.s32 s8, s12;
	s25 =	smul.u32 $0x500, s22;
	s14 =	ssub.s32 s7, s24  }
0xe: {  	s28 =	smul.u32 $0x2800, s22;
	s15 =	sadd.s32 s26, s2;
	s22 =	simm.s32 $0x2  }
0xf: {  	s24 =	simm.s32 $0x16780;
	s23 =	sadd.s32 s8, s5;
	s5 =	sadd.s32 $0xB800, s11  }
0x10: {  	s13 =	sshrl.u32 s15, $0x3;
	s15 =	simm.s32 $0x14000;
	s29 =	sadd.s32 $0x5000, s25  }
0x11: {  	s12 =	sadd.s32 $0x29400, s28;
	s11 =	sadd.s32 $0x65800, s23;
	s23 =	simm.s32 $0x16700  }
0x12: {  	s25 =	simm.s32 $0x0;
	s31 =	sand.u32 $0x1FFFFF00, s29;
	s12 =	sshrl.u32 s12, $0x3  }
0x13: {  	s7 =	sadd.s32 s9, s31;
	s8 =	sadd.s32 s10, s31;
	s9 =	sadd.s32 s9, s12  }
0x14: {  	s10 =	sadd.s32 s10, s12;
	s12 =	smax.u32 s14, $0x1;
	s14 =	simm.s32 $0x3  }
.LBB2_1:
0x15: {  	[spmem:s13], [sflag:s6] =	dma.local [hbm:s5], $0x2800  }
0x16: {  	_ =	swait.ge [sflag:s14], $0x2800  }
0x17: {  	[sflag:s14] =	ssyncset.done $0x0  }
0x18: {  	[sflag:s14] =	ssyncadd.s32 $0xFFFFD800  }
0x19: {  	[bflag:$0x0] =	sbarrier.arrive $0xFFFF  }
0x1a: {  	[tilespmem:s15], [sflag:$0x3] =	stream.linear.gather [hbm4b:s7+s3], $0x1400, $0x38;
	[tilespmem:$0x1E800] =	vst v63  }
0x1b: {  	_ =	swait.ge [sflag:s14], $0x1400  }
0x1c: {  	[sflag:s14] =	ssyncset.done $0x0  }
0x1d: {  	[sflag:s14] =	ssyncadd.s32 $0xFFFFEC00  }
0x1e: {  	[tilespmem:s16], [sflag:$0x3] =	stream.linear.gather [hbm4b:s8+s3], $0x1400, $0x38;
	[tilespmem:$0x1E800] =	vst v63  }
0x1f: {  	_ =	swait.ge [sflag:s14], $0x1400  }
0x20: {  	[sflag:s14] =	ssyncset.done $0x0  }
0x21: {  	[sflag:s14] =	ssyncadd.s32 $0xFFFFEC00  }
0x22: {  	[tilespmem:s18], [sflag:$0x1] =	stream.indirect.gather [hbm4b:s4+s17], $0x80, s15, s17, $0xb8;
	[tilespmem:$0x1E800] =	vst v63  }
0x23: {  	_ = 	snop  }
0x24: {  	[tilespmem:s20], [sflag:$0x2] =	stream.indirect.gather [hbm4b:s4+s17], $0x80, s19, s17, $0xb8;
	[tilespmem:$0x1E800] =	vst v63  }
0x25: {  	_ =	swait.ge [sflag:s21], $0x4000  }
0x26: {  	[sflag:s21] =	ssyncset.done $0x0  }
0x27: {  	s26 =	simm.s32 $0x15400;
	[sflag:s21] =	ssyncadd.s32 $0xFFFFC000  }
0x28: {  	[spmem:s2] =	stream.indirect.scatter.add.bf16 [tilespmem:s18], [sflag:$0x3], $0x80, s26, s17, $0xb8;
	[tilespmem:$0x1E800] =	vst v63  }
0x29: {  	_ =	swait.ge [sflag:s14], $0x4000  }
0x2a: {  	[sflag:s14] =	ssyncset.done $0x0  }
0x2b: {  	s30 =	simm.s32 $0x14100;
	[sflag:s14] =	ssyncadd.s32 $0xFFFFC000  }
0x2c: {  	[tilespmem:s18], [sflag:$0x1] =	stream.indirect.gather [hbm4b:s4+s17], $0x80, s30, s17, $0xb8;
	[tilespmem:$0x1E800] =	vst v63  }
0x2d: {  	_ =	swait.ge [sflag:s22], $0x4000  }
0x2e: {  	[sflag:s22] =	ssyncset.done $0x0  }
0x2f: {  	s31 =	simm.s32 $0x15480;
	[sflag:s22] =	ssyncadd.s32 $0xFFFFC000  }
0x30: {  	[spmem:s2] =	stream.indirect.scatter.add.bf16 [tilespmem:s20], [sflag:$0x3], $0x80, s31, s17, $0xb8;
	[tilespmem:$0x1E800] =	vst v63  }
0x31: {  	_ =	swait.ge [sflag:s14], $0x4000  }
0x32: {  	[sflag:s14] =	ssyncset.done $0x0  }
0x33: {  	s28 =	simm.s32 $0x14180;
	s26 =	simm.s32 $0x400;
	[sflag:s14] =	ssyncadd.s32 $0xFFFFC000  }
.LBB2_2:
0x34: {  	[tilespmem:s20], [sflag:$0x2] =	stream.indirect.gather [hbm4b:s4+s17], $0x80, s28, s17, $0xb8;
	[tilespmem:$0x1E800] =	vst v63  }
0x35: {  	s28 =	smov.u32 s26  }
0x36: {  	p0 =	sne.s32 s26, $0x4800;
	s26 =	sadd.s32 $0x400, s26;
	_ =	swait.ge [sflag:s21], $0x4000  }
0x37: {  	s28 =	sshra.s32 s28, $0x2;
	[sflag:s21] =	ssyncset.done $0x0  }
0x38: {  	s29 =	sadd.s32 $0x15400, s28;
	[sflag:s21] =	ssyncadd.s32 $0xFFFFC000  }
0x39: {  	[spmem:s2] =	stream.indirect.scatter.add.bf16 [tilespmem:s18], [sflag:$0x3], $0x80, s29, s17, $0xb8;
	[tilespmem:$0x1E800] =	vst v63  }
0x3a: {  	_ =	swait.ge [sflag:s14], $0x4000  }
0x3b: {  	[sflag:s14] =	ssyncset.done $0x0  }
0x3c: {  	s29 =	sadd.s32 $0x14100, s28;
	[sflag:s14] =	ssyncadd.s32 $0xFFFFC000  }
0x3d: {  	[tilespmem:s18], [sflag:$0x1] =	stream.indirect.gather [hbm4b:s4+s17], $0x80, s29, s17, $0xb8;
	[tilespmem:$0x1E800] =	vst v63  }
0x3e: {  	_ =	swait.ge [sflag:s22], $0x4000  }
0x3f: {  	[sflag:s22] =	ssyncset.done $0x0  }
.Ltmp0:
0x40: {  	s29 =	sadd.s32 $0x15480, s28;
	[sflag:s22] =	ssyncadd.s32 $0xFFFFC000;
	(pc) =	sbr.rel @p0 .LBB2_2-.Ltmp0, $4  }
0x41: {  	[spmem:s2] =	stream.indirect.scatter.add.bf16 [tilespmem:s20], [sflag:$0x3], $0x80, s29, s17, $0xb8;
	[tilespmem:$0x1E800] =	vst v63  }
0x42: {  	_ =	swait.ge [sflag:s14], $0x4000  }
0x43: {  	[sflag:s14] =	ssyncset.done $0x0  }
0x44: {  	s28 =	sadd.s32 $0x14180, s28;
	[sflag:s14] =	ssyncadd.s32 $0xFFFFC000  }
0x45: {  	[tilespmem:s20], [sflag:$0x2] =	stream.indirect.gather [hbm4b:s4+s17], $0x80, s28, s17, $0xb8;
	[tilespmem:$0x1E800] =	vst v63  }
0x46: {  	_ =	swait.ge [sflag:s21], $0x4000  }
0x47: {  	[sflag:s21] =	ssyncset.done $0x0  }
0x48: {  	[sflag:s21] =	ssyncadd.s32 $0xFFFFC000  }
0x49: {  	[spmem:s2] =	stream.indirect.scatter.add.bf16 [tilespmem:s18], [sflag:$0x3], $0x80, s23, s17, $0xb8;
	[tilespmem:$0x1E800] =	vst v63  }
0x4a: {  	_ =	swait.ge [sflag:s14], $0x4000  }
0x4b: {  	[sflag:s14] =	ssyncset.done $0x0  }
0x4c: {  	[sflag:s14] =	ssyncadd.s32 $0xFFFFC000  }
0x4d: {  	_ =	swait.ge [sflag:s22], $0x4000  }
0x4e: {  	[sflag:s22] =	ssyncset.done $0x0  }
0x4f: {  	[sflag:s22] =	ssyncadd.s32 $0xFFFFC000  }
0x50: {  	[spmem:s2] =	stream.indirect.scatter.add.bf16 [tilespmem:s20], [sflag:$0x3], $0x80, s24, s17, $0xb8;
	[tilespmem:$0x1E800] =	vst v63  }
0x51: {  	_ =	swait.ge [sflag:s14], $0x4000  }
0x52: {  	[sflag:s14] =	ssyncset.done $0x0  }
0x53: {  	s26 =	simm.s32 $0x0;
	[sflag:s14] =	ssyncadd.s32 $0xFFFFC000  }
0x54: {  	[tilespmem:s15], [sflag:$0x3] =	stream.linear.gather [hbm4b:s9+s26], $0x1400, $0x38;
	[tilespmem:$0x1E800] =	vst v63  }
0x55: {  	_ =	swait.ge [sflag:s14], $0x1400  }
0x56: {  	[sflag:s14] =	ssyncset.done $0x0  }
0x57: {  	[sflag:s14] =	ssyncadd.s32 $0xFFFFEC00  }
0x58: {  	[tilespmem:s16], [sflag:$0x3] =	stream.linear.gather [hbm4b:s10+s26], $0x1400, $0x38;
	[tilespmem:$0x1E800] =	vst v63  }
0x59: {  	_ =	swait.ge [sflag:s14], $0x1400  }
0x5a: {  	[sflag:s14] =	ssyncset.done $0x0  }
0x5b: {  	[sflag:s14] =	ssyncadd.s32 $0xFFFFEC00  }
0x5c: {  	[tilespmem:s18], [sflag:$0x1] =	stream.indirect.gather [hbm4b:s4+s17], $0x80, s15, s17, $0xb8;
	[tilespmem:$0x1E800] =	vst v63  }
0x5d: {  	_ = 	snop  }
0x5e: {  	[tilespmem:s20], [sflag:$0x2] =	stream.indirect.gather [hbm4b:s4+s17], $0x80, s19, s17, $0xb8;
	[tilespmem:$0x1E800] =	vst v63  }
0x5f: {  	_ =	swait.ge [sflag:s21], $0x4000  }
0x60: {  	[sflag:s21] =	ssyncset.done $0x0  }
0x61: {  	s29 =	simm.s32 $0x15400;
	[sflag:s21] =	ssyncadd.s32 $0xFFFFC000  }
0x62: {  	[spmem:s2] =	stream.indirect.scatter.add.bf16 [tilespmem:s18], [sflag:$0x3], $0x80, s29, s17, $0xb8;
	[tilespmem:$0x1E800] =	vst v63  }
0x63: {  	_ =	swait.ge [sflag:s14], $0x4000  }
0x64: {  	[sflag:s14] =	ssyncset.done $0x0  }
0x65: {  	s30 =	simm.s32 $0x14100;
	[sflag:s14] =	ssyncadd.s32 $0xFFFFC000  }
0x66: {  	[tilespmem:s18], [sflag:$0x1] =	stream.indirect.gather [hbm4b:s4+s17], $0x80, s30, s17, $0xb8;
	[tilespmem:$0x1E800] =	vst v63  }
0x67: {  	_ =	swait.ge [sflag:s22], $0x4000  }
0x68: {  	[sflag:s22] =	ssyncset.done $0x0  }
0x69: {  	s31 =	simm.s32 $0x15480;
	[sflag:s22] =	ssyncadd.s32 $0xFFFFC000  }
0x6a: {  	[spmem:s2] =	stream.indirect.scatter.add.bf16 [tilespmem:s20], [sflag:$0x3], $0x80, s31, s17, $0xb8;
	[tilespmem:$0x1E800] =	vst v63  }
0x6b: {  	_ =	swait.ge [sflag:s14], $0x4000  }
0x6c: {  	[sflag:s14] =	ssyncset.done $0x0  }
0x6d: {  	s28 =	simm.s32 $0x14180;
	s26 =	simm.s32 $0x400;
	[sflag:s14] =	ssyncadd.s32 $0xFFFFC000  }
.LBB2_4:
0x6e: {  	[tilespmem:s20], [sflag:$0x2] =	stream.indirect.gather [hbm4b:s4+s17], $0x80, s28, s17, $0xb8;
	[tilespmem:$0x1E800] =	vst v63  }
0x6f: {  	s28 =	smov.u32 s26  }
0x70: {  	p0 =	sne.s32 s26, $0x4800;
	s26 =	sadd.s32 $0x400, s26;
	_ =	swait.ge [sflag:s21], $0x4000  }
0x71: {  	s28 =	sshra.s32 s28, $0x2;
	[sflag:s21] =	ssyncset.done $0x0  }
0x72: {  	s29 =	sadd.s32 $0x15400, s28;
	[sflag:s21] =	ssyncadd.s32 $0xFFFFC000  }
0x73: {  	[spmem:s2] =	stream.indirect.scatter.add.bf16 [tilespmem:s18], [sflag:$0x3], $0x80, s29, s17, $0xb8;
	[tilespmem:$0x1E800] =	vst v63  }
0x74: {  	_ =	swait.ge [sflag:s14], $0x4000  }
0x75: {  	[sflag:s14] =	ssyncset.done $0x0  }
0x76: {  	s29 =	sadd.s32 $0x14100, s28;
	[sflag:s14] =	ssyncadd.s32 $0xFFFFC000  }
0x77: {  	[tilespmem:s18], [sflag:$0x1] =	stream.indirect.gather [hbm4b:s4+s17], $0x80, s29, s17, $0xb8;
	[tilespmem:$0x1E800] =	vst v63  }
0x78: {  	_ =	swait.ge [sflag:s22], $0x4000  }
0x79: {  	[sflag:s22] =	ssyncset.done $0x0  }
.Ltmp1:
0x7a: {  	s29 =	sadd.s32 $0x15480, s28;
	[sflag:s22] =	ssyncadd.s32 $0xFFFFC000;
	(pc) =	sbr.rel @p0 .LBB2_4-.Ltmp1, $4  }
0x7b: {  	[spmem:s2] =	stream.indirect.scatter.add.bf16 [tilespmem:s20], [sflag:$0x3], $0x80, s29, s17, $0xb8;
	[tilespmem:$0x1E800] =	vst v63  }
0x7c: {  	_ =	swait.ge [sflag:s14], $0x4000  }
0x7d: {  	[sflag:s14] =	ssyncset.done $0x0  }
0x7e: {  	s28 =	sadd.s32 $0x14180, s28;
	[sflag:s14] =	ssyncadd.s32 $0xFFFFC000  }
0x7f: {  	[tilespmem:s20], [sflag:$0x2] =	stream.indirect.gather [hbm4b:s4+s17], $0x80, s28, s17, $0xb8;
	[tilespmem:$0x1E800] =	vst v63  }
0x80: {  	_ =	swait.ge [sflag:s21], $0x4000  }
0x81: {  	[sflag:s21] =	ssyncset.done $0x0  }
0x82: {  	[sflag:s21] =	ssyncadd.s32 $0xFFFFC000  }
0x83: {  	[spmem:s2] =	stream.indirect.scatter.add.bf16 [tilespmem:s18], [sflag:$0x3], $0x80, s23, s17, $0xb8;
	[tilespmem:$0x1E800] =	vst v63  }
0x84: {  	_ =	swait.ge [sflag:s14], $0x4000  }
0x85: {  	[sflag:s14] =	ssyncset.done $0x0  }
0x86: {  	[sflag:s14] =	ssyncadd.s32 $0xFFFFC000  }
0x87: {  	_ =	swait.ge [sflag:s22], $0x4000  }
0x88: {  	[sflag:s22] =	ssyncset.done $0x0  }
0x89: {  	[sflag:s22] =	ssyncadd.s32 $0xFFFFC000  }
0x8a: {  	[spmem:s2] =	stream.indirect.scatter.add.bf16 [tilespmem:s20], [sflag:$0x3], $0x80, s24, s17, $0xb8;
	[tilespmem:$0x1E800] =	vst v63  }
0x8b: {  	_ =	swait.ge [sflag:s14], $0x4000  }
0x8c: {  	s25 =	sadd.s32 $0x1, s25;
	[sflag:s14] =	ssyncset.done $0x0  }
0x8d: {  	p0 =	sne.s32 s25, s12;
	[sflag:s14] =	ssyncadd.s32 $0xFFFFC000  }
.Ltmp2:
0x8e: {  	[bflag:$0x0] =	sbarrier.arrive $0xFFFF;
	(pc) =	sbr.rel @p0 .LBB2_1-.Ltmp2, $4  }
0x8f: {  	[hbm:s11], [sflag:s6] =	dma.local [spmem:s13], $0x2800  }
0x90: {  	_ =	swait.ge [sflag:s14], $0x2800  }
0x91: {  	[sflag:s14] =	ssyncset.done $0x0  }
0x92: {  	[sflag:s14] =	ssyncadd.s32 $0xFFFFD800  }
0x93: {  	_ =	sfence.sel $0x180000  }
0x94: {  	[bflag:$0x0] =	sbarrier.arrive $0xFFFF  }
0x95: {  	p0 =	sne.s32 s1, $0x0;
	_ =	strace $0x9000004A  }
0x96: {  	s0 =	sadd.s32 @!p0 $0x100000, s0;
	[bflag:$0x2] =	sbarrier.arrive $0xFFFF  }
0x97: {  	[sflag:s0] =	ssyncadd.tile.s32 @!p0 $0x1;
	_ =	shalt  }
.Lfunc_end2:
_tile_overlayer_lowered:
.L_overlay_start_2:
0x98: {  	(tag) =	ssettag $0x2  }
0x99: {  	s0 =	rddreg [dreg:$0x0];
	s2 =	stileid.u32  }
0x9a: {  	s1 =	rddreg [dreg:$0x1];
	p0 =	sne.s32 s2, $0x0  }
0x9b: {  	s3 =	rddreg [dreg:$0x2];
	[bflag:$0x3] =	sbarrier.arrive $0xFFFF;
	s2 =	simm.s32 @!p0 $0x1C03  }
0x9c: {  	[timem:s3], [sflag:s2] =	dma.local @!p0 [hbm:s0], s1  }
0x9d: {  	s0 =	simm.s32 @!p0 $0x3  }
0x9e: {  	_ =	swait.ge @!p0 [sflag:s0], s1  }
0x9f: {  	s1 =	ssub.s32 @!p0 $0x0, s1;
	[sflag:s0] =	ssyncset.done @!p0 $0x0  }
0xa0: {  	[sflag:s0] =	ssyncadd.s32 @!p0 s1  }
0xa1: {  	[bflag:$0x3] =	sbarrier.arrive $0xFFFF  }
0xa2: {  	_ =	shalt  }

// kernel: kernel.7.cloned.1.call-start
scs
__scs_entry_jumppad:
0x0: {  	(pc) =	sbr.rel $0x88, $3  }
0x1: {  	(tag) =	ssettag $0x0;
	lr =	simm.s32 $0x1  }
0x2: {  	[smem:$0x3F9C] =	sst lr;
	_ =	strace $0xD0000000  }
0x3: {  	_ = 	snop  }
0x4: {  	_ = 	snop  }
0x5: {  	_ = 	snop  }
0x6: {  	_ = 	snop  }
0x7: {  	_ = 	snop  }
__scs_overlays_trampoline_lowered:
0x8: {  	[smem:$0x3FAB] =	sst s0  }
0x9: {  	[smem:$0x3FAC] =	sst s1  }
0xa: {  	[smem:$0x3FAD] =	sst s2  }
0xb: {  	[smem:$0x3FAE] =	sst s3  }
0xc: {  	[smem:$0x3FAF] =	sst s4  }
0xd: {  	[smem:$0x3FB0] =	sst s5  }
0xe: {  	[smem:$0x3FB1] =	sst s6  }
0xf: {  	[smem:$0x3FB2] =	sst s7  }
0x10: {  	[smem:$0x3FB3] =	sst s8  }
0x11: {  	[smem:$0x3FB4] =	sst s9;
	s0 =	simm.s32 @!p0 $0x0  }
0x12: {  	s1 =	sld [smem:$0x3F9A];
	s0 =	simm.s32 @p0 $0x1  }
0x13: {  	[smem:$0x3FB5] =	sst s0;
	s0 =	simm.s32 @!p1 $0x0  }
0x14: {  	s2 =	sld [smem:$0x3F99];
	s0 =	simm.s32 @p1 $0x1  }
0x15: {  	[smem:$0x3FB6] =	sst s0;
	s0 =	simm.s32 @!p2 $0x0  }
0x16: {  	s3 =	sld [smem:$0x3FDB];
	s0 =	simm.s32 @p2 $0x1  }
0x17: {  	s4 =	simm.s32 $0x1BF5;
	[smem:$0x3FB8] =	sst s0  }
0x18: {  	s0 =	sld [smem:$0x3F9B];
	_ =	swait.ge [sflag:s4], $0x0  }
0x19: {  	s7 =	sld [smem:$0x3F9C]  }
0x1a: {  	s8 =	sadd.s32 $0xFFFFE003, lr  }
0x1b: {  	s9 =	sadd.s32 $0xFFFFFEF7, lr;
	s5 =	simm.s32 $0xFFFFFFFF;
	p2 =	slt.u32 s8, $0xFFFFF086  }
0x1c: {  	p1 =	slt.u32 s9, $0xF7A;
	s5 =	simm.s32 @!p2 $0x0  }
0x1d: {  	s5 =	simm.s32 @p1 $0x1;
	p0 =	seq.s32 s7, s2  }
0x1e: {  	s7 =	smul.u32 @!p0 $0xF7A, s2;
	p2 =	seq.s32 @!p0 s5, $0x0  }
0x1f: {  	s9 =	smul.u32 $0xF7A, s1;
	s8 =	simm.s32 @!p0 $0x1BF5;
	p2 =	por !p2, p0  }
0x20: {  	[sflag:s8] =	ssyncset.s32 @!p0 $0xFFFFF086;
	s6 =	sadd.s32 @!p0 s3, s7;
	s7 =	simm.s32 @!p0 $0x108  }
0x21: {  	s3 =	sadd.s32 s3, s9;
	s6 =	sadd.s32 @!p0 $0x88, s6;
	s7 =	simm.s32 @p2 $0x1082  }
0x22: {  	[simem:s7], [sflag:s8] =	dma.local @!p0 [hbm:s6], $0xF7A  }
0x23: {  	s9 =	sor.u32 $0xD0000000, s2;
	s6 =	simm.s32 $0x108;
	_ =	swait.ge @!p0 [sflag:s8], $0x0  }
0x24: {  	s3 =	sadd.s32 $0x88, s3;
	s6 =	simm.s32 @!p1 $0x1082;
	[sflag:s4] =	ssyncset.s32 $0xFFFFF086  }
0x25: {  	[simem:s6], [sflag:s4] =	dma.local [hbm:s3], $0xF7A  }
0x26: {  	[smem:$0x3F9C] =	sst s1;
	(tag) =	ssettag s2;
	_ =	strace s9  }
0x27: {  	s1 =	sld [smem:$0x3FAC]  }
0x28: {  	s2 =	sld [smem:$0x3FAD]  }
0x29: {  	s4 =	sld [smem:$0x3FAF]  }
0x2a: {  	p0 =	seq.s32 s5, $0x0;
	s5 =	sld [smem:$0x3FB0]  }
0x2b: {  	s6 =	sld [smem:$0x3FB1]  }
0x2c: {  	s7 =	sld [smem:$0x3FB2]  }
0x2d: {  	s3 =	simm.s32 $0x108;
	s8 =	sld [smem:$0x3FB3]  }
0x2e: {  	s3 =	simm.s32 @!p0 $0x1082;
	s9 =	sld [smem:$0x3FB4]  }
0x2f: {  	lr =	sadd.s32 s0, s3;
	s0 =	sld [smem:$0x3FAB]  }
0x30: {  	s3 =	sld [smem:$0x3FAE]  }
0x31: {  	[smem:$0x3FB7] =	sst s10  }
0x32: {  	s10 =	sld [smem:$0x3FB5];
	_ =	sdelay $0x3  }
0x33: {  	p0 =	seq.s32 s10, $0x1;
	s10 =	sld [smem:$0x3FB7];
	_ =	sdelay $0x3  }
0x34: {  	[smem:$0x3FB7] =	sst s10  }
0x35: {  	s10 =	sld [smem:$0x3FB6];
	_ =	sdelay $0x3  }
0x36: {  	p1 =	seq.s32 s10, $0x1;
	s10 =	sld [smem:$0x3FB7];
	_ =	sdelay $0x3  }
0x37: {  	[smem:$0x3FB7] =	sst s10  }
0x38: {  	s10 =	sld [smem:$0x3FB8]  }
0x39: {  	_ = 	snop;
	(pc) =	sbr.ind lr, $3  }
0x3a: {  	_ = 	snop  }
0x3b: {  	_ = 	snop  }
0x3c: {  	p2 =	seq.s32 s10, $0x1;
	s10 =	sld [smem:$0x3FB7]  }
0x3d: {  	_ =	shalt  }
0x3e: {  	_ =	shalt  }
0x3f: {  	_ =	shalt  }
0x40: {  	_ =	shalt  }
0x41: {  	_ =	shalt  }
0x42: {  	_ =	shalt  }
0x43: {  	_ =	shalt  }
0x44: {  	_ =	shalt  }
0x45: {  	_ =	shalt  }
0x46: {  	_ =	shalt  }
0x47: {  	_ =	shalt  }
0x48: {  	_ =	shalt  }
0x49: {  	_ =	shalt  }
0x4a: {  	_ =	shalt  }
0x4b: {  	_ =	shalt  }
0x4c: {  	_ =	shalt  }
0x4d: {  	_ =	shalt  }
0x4e: {  	_ =	shalt  }
0x4f: {  	_ =	shalt  }
0x50: {  	_ =	shalt  }
0x51: {  	_ =	shalt  }
0x52: {  	_ =	shalt  }
0x53: {  	_ =	shalt  }
0x54: {  	_ =	shalt  }
0x55: {  	_ =	shalt  }
0x56: {  	_ =	shalt  }
0x57: {  	_ =	shalt  }
0x58: {  	_ =	shalt  }
0x59: {  	_ =	shalt  }
0x5a: {  	_ =	shalt  }
0x5b: {  	_ =	shalt  }
0x5c: {  	_ =	shalt  }
0x5d: {  	_ =	shalt  }
0x5e: {  	_ =	shalt  }
0x5f: {  	_ =	shalt  }
0x60: {  	_ =	shalt  }
0x61: {  	_ =	shalt  }
0x62: {  	_ =	shalt  }
0x63: {  	_ =	shalt  }
0x64: {  	_ =	shalt  }
0x65: {  	_ =	shalt  }
0x66: {  	_ =	shalt  }
0x67: {  	_ =	shalt  }
0x68: {  	_ =	shalt  }
0x69: {  	_ =	shalt  }
0x6a: {  	_ =	shalt  }
0x6b: {  	_ =	shalt  }
0x6c: {  	_ =	shalt  }
0x6d: {  	_ =	shalt  }
0x6e: {  	_ =	shalt  }
0x6f: {  	_ =	shalt  }
0x70: {  	_ =	shalt  }
0x71: {  	_ =	shalt  }
0x72: {  	_ =	shalt  }
0x73: {  	_ =	shalt  }
0x74: {  	_ =	shalt  }
0x75: {  	_ =	shalt  }
0x76: {  	_ =	shalt  }
0x77: {  	_ =	shalt  }
0x78: {  	_ =	shalt  }
0x79: {  	_ =	shalt  }
0x7a: {  	_ =	shalt  }
0x7b: {  	_ =	shalt  }
0x7c: {  	_ =	shalt  }
0x7d: {  	_ =	shalt  }
0x7e: {  	_ =	shalt  }
0x7f: {  	_ =	shalt  }
0x80: {  	_ =	shalt  }
0x81: {  	_ =	shalt  }
0x82: {  	_ =	shalt  }
0x83: {  	_ =	shalt  }
0x84: {  	_ =	shalt  }
0x85: {  	_ =	shalt  }
0x86: {  	_ =	shalt  }
0x87: {  	_ =	shalt  }
.Lfunc_end0:
.L_simem_size_0:
called_computation_lowered:
.L_overlay_start_0:
0x88: {  	s2 =	sld [smem:$0x3FD9]  }
0x89: {  	s3 =	sld [smem:$0x3FFE];
	_ =	sdelay $0x1  }
0x8a: {  	s1 =	srdreg.scid  }
0x8b: {  	s0 =	sand.u32 $0x1, s1  }
0x8c: {  	s17 =	sshll.u32 s0, $0xA;
	s2 =	sadd.s32 s3, s2  }
0x8d: {  	s2 =	sadd.s32 s2, s17  }
0x8e: {  	[smem:$0x3FC3] =	sst s2  }
0x8f: {  	_ = 	snop  }
0x90: {  	s2 =	sld [smem:$0x3FD0];
	(tm) =	ssettm $0x1  }
0x91: {  	s18 =	sld [smem:$0x3FFB];
	_ =	sdelay $0x3  }
0x92: {  	_ =	strace s18  }
0x93: {  	s3 =	sld [smem:$0x3FFC];
	_ =	sdelay $0x3  }
0x94: {  	_ =	strace s3  }
0x95: {  	s3 =	sld [smem:$0x3FFD];
	_ =	sdelay $0x3  }
0x96: {  	_ =	strace s3  }
0x97: {  	_ =	strace $0x8FFFFFFF  }
0x98: {  	s19 =	sld [smem:$0x3FDB];
	_ =	sdelay $0x1  }
0x99: {  	s4 =	simm.s32 $_scs_section_size  }
0x9a: {  	s5 =	simm.s32 $_size__tile_overlayer_lowered;
	s6 =	simm.s32 $_tile_overlayer_lowered  }
0x9b: {  	s22 =	simm.s32 $0x1BFF;
	s21 =	sshll.u32 s6, $0x1;
	s3 =	sadd.s32 s4, s19  }
0x9c: {  	s7 =	simm.s32 $0x0;
	s20 =	sshll.u32 s5, $0x1;
	s5 =	sadd.s32 s21, s3  }
0x9d: {  	[timem:s7], [sflag:s22] =	dma.local [hbm:s5], s20  }
0x9e: {  	_ =	swait.ge [sflag:s22], s20  }
0x9f: {  	s4 =	ssub.s32 $0x0, s20;
	[sflag:s22] =	ssyncset.done $0x0  }
0xa0: {  	[sflag:s22] =	ssyncadd.s32 s4;
	_ =	sdelay $0x1  }
0xa1: {  	s23 =	simm.s32 $0x1B8B  }
0xa2: {  	_ =	swait.ge [sflag:s23], $0x1  }
0xa3: {  	[sflag:s23] =	ssyncset.done $0x0  }
0xa4: {  	s25 =	simm.s32 $0x1B8E;
	s24 =	sld [smem:$0x3FFE];
	[sflag:s23] =	ssyncadd.s32 $0xFFFFFFFF  }
0xa5: {  	s26 =	simm.s32 $execute0_lowered;
	[smem:$0x3FD2] =	sst s25  }
0xa6: {  	s5 =	sshll.u32 s26, $0x1;
	_ =	strace $0x80000046;
	[dreg:$0x1] =	wrdreg $0xFFFFFFFF  }
0xa7: {  	s28 =	simm.s32 $_size_execute0_lowered;
	s3 =	sadd.s32 s3, s5;
	[dreg:$0x0] =	wrdreg $0x0  }
0xa8: {  	s5 =	sshll.u32 s28, $0x1;
	[dreg:$0x2] =	wrdreg s3  }
0xa9: {  	[dreg:$0x3] =	wrdreg s5  }
0xaa: {  	[dreg:$0x4] =	wrdreg $0xC0  }
0xab: {  	_ =	task [dreg:s7], $0x5FFFF  }
0xac: {  	[dreg:$0x1] =	wrdreg $0xFFFFFFFF  }
0xad: {  	[dreg:$0x0] =	wrdreg $0x60  }
0xae: {  	[dreg:$0x2] =	wrdreg s2  }
0xaf: {  	[dreg:$0x3] =	wrdreg s24  }
0xb0: {  	[dreg:$0x4] =	wrdreg $0x9  }
0xb1: {  	_ =	task.clear_ibuf [dreg:s7], $0x5FFFF;
	_ =	strace $0x90000046  }
0xb2: {  	s29 =	simm.s32 $0x9;
	_ =	strace $0x80000048  }
0xb3: {  	_ =	swait.ge [sflag:s29], $0x1  }
0xb4: {  	[sflag:s29] =	ssyncadd.s32 $0xFFFFFFFF  }
0xb5: {  	_ =	strace $0x90000048  }
0xb6: {  	_ =	sfence  }
0xb7: {  	s30 =	sld [smem:$0x0];
	_ =	sdelay $0x2  }
0xb8: {  	s31 =	sshll.u32 s1, $0xD;
	s1 =	sshrl.u32 s1, $0x2  }
0xb9: {  	s3 =	sand.u32 $0x4000, s31;
	s1 =	sadd.s32 s1, s30  }
0xba: {  	s0 =	sor.u32 s3, s0;
	s1 =	sshll.u32 s1, $0x11  }
0xbb: {  	s0 =	sor.u32 s1, s0  }
0xbc: {  	s0 =	sadd.s32 $0x8F2B, s0  }
0xbd: {  	[sflag:s0] =	ssyncadd.remote.s32 $0x1  }
0xbe: {  	_ =	sfence.sel $0xFFFF  }
0xbf: {  	[dreg:$0x0] =	wrdreg $0xFFFFFFFF;
	(pc) =	sbr.abs _section_cstart, $3  }
0xc0: {  	[dreg:$0x1] =	wrdreg $0xFFFFFFFF  }
0xc1: {  	_ =	task.clear_ibuf [dreg:s7], $0x2FFFF;
	_ =	strace $0x9FFFFFFF  }
0xc2: {  	(tm) =	ssettm $0x7FFFFFFF  }
0xc3: {  	_ =	shalt  }
tec
execute0_lowered:
.L_overlay_start_1:
0x0: {  	(tag) =	ssettag $0x1  }
0x1: {  	s0 =	srdreg.scid  }
0x2: {  	s3 =	sand.u32 $0x1, s0  }
0x3: {  	s0 =	stileid.u32;
	s1 =	sshll.u32 s3, $0x4  }
0x4: {  	s5 =	rddreg [dreg:$0x0];
	s4 =	sor.u32 s0, s1  }
0x5: {  	s6 =	rddreg [dreg:$0x1];
	s2 =	simm.s32 $0x0;
	s1 =	sshrl.u32 s4, $0x3  }
0x6: {  	s9 =	simm.s32 $0x400;
	s8 =	sshll.u32 s0, $0x7;
	s7 =	smul.u32 $0x14000, s1  }
0x7: {  	s10 =	simm.s32 $0x0;
	s3 =	ssub.s32 $0x2, s3;
	s8 =	sand.u32 $0x380, s8  }
0x8: {  	[smem:$0x7FF] =	sst s2;
	s31 =	sshrl.u32 s3, $0x1;
	s7 =	sor.u32 s8, s7  }
0x9: {  	s4 =	smul.u32 $0x500, s4;
	s1 =	rddreg [dreg:$0x2];
	s7 =	sshrl.u32 s7, $0x3  }
0xa: {  	_ =	strace $0x80000047;
	s8 =	simm.s32 $0x80;
	s6 =	sadd.s32 s7, s6  }
0xb: {  	s7 =	ssub.s32 s3, s31;
	s3 =	sadd.s32 s5, s4;
	s4 =	sadd.s32 $0x1800, s6  }
0xc: {  	v0 =	vimm.f32 $0.0e+00;
	v1 =	vimm.f32 $1.000000000e+00;
	s5 =	smax.u32 s7, $0x1;
	s6 =	simm.s32 $0x1;
	s7 =	simm.s32 $0x2800  }
.LBB2_1:
0xd: {  	[tilespmem:s2], [sflag:$0x1] =	stream.linear.gather [hbm4b:s3+s2], $0x2800, $0x38;
	[tilespmem:$0x5000] =	vst v63  }
0xe: {  	_ =	swait.ge [sflag:s6], $0x2800  }
0xf: {  	[sflag:s6] =	ssyncset.done $0x0  }
0x10: {  	s11 =	simm.s32 $0x0;
	[sflag:s6] =	ssyncadd.s32 $0xFFFFD800  }
.LBB2_2:
0x11: {  	p0 =	sne.s32 s11, $0x9FC0  }
.Ltmp0:
0x12: {  	_ = 	snop;
	(pc) =	sbr.rel @p0 .LBB2_2-.Ltmp0, $3  }
0x13: {  	_ =	sdelay $0x1  }
0x14: {  	s12 =	sshra.s32 s11, $0x2  }
0x15: {  	s11 =	sadd.s32 $0x40, s11;
	[tilespmem:s12+$0x2800] =	vst v0  }
0x16: {  	s11 =	simm.s32 $0x0  }
.LBB2_4:
0x17: {  	s12 =	sshra.s32 s11, $0x2  }
0x18: {  	v2 =	vld [tilespmem:s12+$0x0];
	_ =	sdelay $0x7  }
0x19: {  	[tilespmem:v2+s7+$0x0] =	vst.idx.add.f32.msk $0xffff, v1  }
0x1a: {  	v2 =	vld [tilespmem:s12+$0x10];
	_ =	sdelay $0x7  }
0x1b: {  	[tilespmem:v2+s7+$0x0] =	vst.idx.add.f32.msk $0xffff, v1  }
0x1c: {  	v2 =	vld [tilespmem:s12+$0x20];
	_ =	sdelay $0x7  }
0x1d: {  	[tilespmem:v2+s7+$0x0] =	vst.idx.add.f32.msk $0xffff, v1  }
0x1e: {  	v2 =	vld [tilespmem:s12+$0x30];
	_ =	sdelay $0x7  }
0x1f: {  	[tilespmem:v2+s7+$0x0] =	vst.idx.add.f32.msk $0xffff, v1  }
0x20: {  	v2 =	vld [tilespmem:s12+$0x40];
	_ =	sdelay $0x7  }
0x21: {  	[tilespmem:v2+s7+$0x0] =	vst.idx.add.f32.msk $0xffff, v1  }
0x22: {  	v2 =	vld [tilespmem:s12+$0x50];
	_ =	sdelay $0x7  }
0x23: {  	[tilespmem:v2+s7+$0x0] =	vst.idx.add.f32.msk $0xffff, v1  }
0x24: {  	v2 =	vld [tilespmem:s12+$0x60];
	_ =	sdelay $0x7  }
0x25: {  	[tilespmem:v2+s7+$0x0] =	vst.idx.add.f32.msk $0xffff, v1  }
0x26: {  	v2 =	vld [tilespmem:s12+$0x70];
	_ =	sdelay $0x2  }
0x27: {  	p0 =	sne.s32 s11, $0x9E00  }
.Ltmp1:
0x28: {  	_ = 	snop;
	(pc) =	sbr.rel @p0 .LBB2_4-.Ltmp1, $2  }
0x29: {  	_ =	sdelay $0x2  }
0x2a: {  	s11 =	sadd.s32 $0x200, s11;
	[tilespmem:v2+s7+$0x0] =	vst.idx.add.f32.msk $0xffff, v1  }
0x2b: {  	s10 =	sadd.s32 $0x1, s10  }
0x2c: {  	p0 =	sne.s32 s10, s5  }
.Ltmp2:
0x2d: {  	_ = 	snop;
	(pc) =	sbr.rel @p0 .LBB2_1-.Ltmp2, $4  }
0x2e: {  	[hbm4b:s4+s8] =	stream.strided.scatter [tilespmem:s7], [sflag:$0x1], $0x2800, s9, s8, $0x38;
	[tilespmem:$0x5000] =	vst v63  }
0x2f: {  	_ =	swait.ge [sflag:s6], $0x2800  }
0x30: {  	[sflag:s6] =	ssyncset.done $0x0  }
0x31: {  	[sflag:s6] =	ssyncadd.s32 $0xFFFFD800  }
0x32: {  	_ =	sfence.sel $0x180000  }
0x33: {  	[bflag:$0x0] =	sbarrier.arrive $0xFFFF  }
0x34: {  	p0 =	sne.s32 s0, $0x0;
	_ =	strace $0x90000047  }
0x35: {  	s0 =	sadd.s32 @!p0 $0x100000, s1;
	[bflag:$0x2] =	sbarrier.arrive $0xFFFF  }
0x36: {  	[sflag:s0] =	ssyncadd.tile.s32 @!p0 $0x1;
	_ =	shalt  }
.Lfunc_end2:
_tile_overlayer_lowered:
.L_overlay_start_2:
0x37: {  	(tag) =	ssettag $0x2  }
0x38: {  	s0 =	rddreg [dreg:$0x0];
	s2 =	stileid.u32  }
0x39: {  	s1 =	rddreg [dreg:$0x1];
	p0 =	sne.s32 s2, $0x0  }
0x3a: {  	s3 =	rddreg [dreg:$0x2];
	[bflag:$0x3] =	sbarrier.arrive $0xFFFF;
	s2 =	simm.s32 @!p0 $0x1C01  }
0x3b: {  	[timem:s3], [sflag:s2] =	dma.local @!p0 [hbm:s0], s1  }
0x3c: {  	s0 =	simm.s32 @!p0 $0x1  }
0x3d: {  	_ =	swait.ge @!p0 [sflag:s0], s1  }
0x3e: {  	s1 =	ssub.s32 @!p0 $0x0, s1;
	[sflag:s0] =	ssyncset.done @!p0 $0x0  }
0x3f: {  	[sflag:s0] =	ssyncadd.s32 @!p0 s1  }
0x40: {  	[bflag:$0x3] =	sbarrier.arrive $0xFFFF  }
0x41: {  	_ =	shalt  }

</sc_bundles>
